<compile_context>
chip_gen: v7x
topology: tpu7x:2x2x1
jax: 0.10.2.dev20260603
libtpu: 0.0.44.dev20260713+nightly
codegen_flags: <defaults>
</compile_context>

<pallas_src>
import functools

import jax
import jax.numpy as jnp
from jax import lax
from jax.experimental import pallas as pl
from jax.experimental.pallas import tpu as pltpu
from jax.experimental.pallas import tpu_sc as plsc

N = 16777216
NC = 2
NS = 16
NW = NC * NS
L = 16
PER_W = N // NW
BLOCK = 32768
NBLK = PER_W // BLOCK
NBINS = 256
EPAD = 272

_mesh = plsc.VectorSubcoreMesh(
    core_axis_name="c", subcore_axis_name="s", num_cores=NC, num_subcores=NS
)
_cparams = pltpu.CompilerParams(needs_layout_passes=False)


def _worker_id():
    return lax.axis_index("s") * NC + lax.axis_index("c")


def _stream_shard(x_hbm, base, bufs, sems, block_body, carry):
    for b in range(2):
        off = pl.multiple_of(base + b * BLOCK, BLOCK)
        pltpu.async_copy(x_hbm.at[pl.ds(off, BLOCK)], bufs[b], sems[b])

    def pair(p, c):
        for b in range(2):
            g = p * 2 + b
            pltpu.make_async_copy(
                x_hbm.at[pl.ds(0, BLOCK)], bufs[b], sems[b]
            ).wait()
            c = block_body(bufs[b], c)

            @pl.when(g + 2 < NBLK)
            def _():
                off = pl.multiple_of(base + (g + 2) * BLOCK, BLOCK)
                pltpu.async_copy(x_hbm.at[pl.ds(off, BLOCK)], bufs[b], sems[b])

        return c

    return lax.fori_loop(0, NBLK // 2, pair, carry)


@functools.partial(
    pl.kernel,
    out_type=jax.ShapeDtypeStruct((NW * 2 * L,), jnp.float32),
    mesh=_mesh,
    compiler_params=_cparams,
    scratch_types=[
        pltpu.VMEM((BLOCK,), jnp.float32),
        pltpu.VMEM((BLOCK,), jnp.float32),
        pltpu.VMEM((2 * L,), jnp.float32),
        pltpu.SemaphoreType.DMA,
        pltpu.SemaphoreType.DMA,
    ],
)
def _minmax(x_hbm, out_hbm, buf0, buf1, res, sem0, sem1):
    wid = _worker_id()
    base = pl.multiple_of(wid * PER_W, PER_W)

    def block_body(bref, c):
        @plsc.parallel_loop(0, BLOCK // L, unroll=8, carry=c)
        def inner(i, c):
            mn, mx = c
            ib = pl.multiple_of(i * L, L)
            v = bref[pl.ds(ib, L)]
            return (jnp.minimum(mn, v), jnp.maximum(mx, v))

        return inner

    init = (
        jnp.full((L,), jnp.inf, jnp.float32),
        jnp.full((L,), -jnp.inf, jnp.float32),
    )
    mn, mx = _stream_shard(x_hbm, base, (buf0, buf1), (sem0, sem1), block_body, init)
    res[pl.ds(0, L)] = mn
    res[pl.ds(L, L)] = mx
    pltpu.sync_copy(res, out_hbm.at[pl.ds(pl.multiple_of(wid * 2 * L, 2 * L), 2 * L)])


@functools.partial(
    pl.kernel,
    out_type=jax.ShapeDtypeStruct((NW * NBINS,), jnp.float32),
    mesh=_mesh,
    compiler_params=_cparams,
    scratch_types=[
        pltpu.VMEM((BLOCK,), jnp.float32),
        pltpu.VMEM((BLOCK,), jnp.float32),
        pltpu.VMEM((EPAD,), jnp.float32),
        pltpu.VMEM((L,), jnp.float32),
        pltpu.VMEM((L * (NBINS + 1),), jnp.float32),
        pltpu.VMEM((NBINS,), jnp.float32),
        pltpu.SemaphoreType.DMA,
        pltpu.SemaphoreType.DMA,
    ],
)
def _hist(x_hbm, edges_hi_hbm, params_hbm, out_hbm, buf0, buf1, edges_hi_v, params_v, h2d, h1d, sem0, sem1):
    wid = _worker_id()
    base = pl.multiple_of(wid * PER_W, PER_W)
    STRIDE = NBINS + 1

    pltpu.sync_copy(edges_hi_hbm, edges_hi_v)
    pltpu.sync_copy(params_hbm, params_v)
    pv = params_v[...]
    scale = pv[2]
    tmin_eps = pv[3]

    zeros = jnp.zeros((L,), jnp.float32)

    def zero_it(i, c):
        h2d[pl.ds(pl.multiple_of(i * L, L), L)] = zeros
        return c

    lax.fori_loop(0, L * STRIDE // L, zero_it, 0)

    lane = jnp.arange(L, dtype=jnp.int32)
    lane_base = lane * STRIDE
    ones = jnp.ones((L,), jnp.float32)
    fzero = jnp.zeros((L,), jnp.float32)

    def block_body(bref, c):
        @plsc.parallel_loop(0, BLOCK // L, unroll=8)
        def _(i):
            ib = pl.multiple_of(i * L, L)
            v = bref[pl.ds(ib, L)]
            u = jnp.maximum((v - tmin_eps) * scale, fzero)
            idx0 = u.astype(jnp.int32)
            e = plsc.load_gather(edges_hi_v, [idx0])
            idx = idx0 + (v >= e)
            plsc.addupdate_scatter(h2d, [idx + lane_base], ones)

        return c

    _stream_shard(x_hbm, base, (buf0, buf1), (sem0, sem1), block_body, 0)

    def red_it(j, c):
        jb = pl.multiple_of(j * L, L)
        acc = h2d[pl.ds(jb, L)]
        for l in range(1, L):
            acc = acc + h2d[pl.ds(l * STRIDE + jb, L)]
        h1d[pl.ds(jb, L)] = acc
        return c

    lax.fori_loop(0, NBINS // L, red_it, 0)
    t256 = plsc.load_gather(h2d, [lane_base + NBINS])
    s256 = jnp.sum(t256)
    last = h1d[pl.ds(NBINS - L, L)]
    h1d[pl.ds(NBINS - L, L)] = last + jnp.where(lane == L - 1, s256, 0.0)
    pltpu.sync_copy(
        h1d, out_hbm.at[pl.ds(pl.multiple_of(wid * NBINS, NBINS), NBINS)]
    )


_W1 = float((1 - 0.99))
_W2 = float((1 + 0.99))


@functools.partial(
    pl.kernel,
    out_type=jax.ShapeDtypeStruct((L,), jnp.float32),
    mesh=_mesh,
    compiler_params=_cparams,
    scratch_types=[
        pltpu.VMEM((NW * NBINS,), jnp.float32),
        pltpu.VMEM((EPAD,), jnp.float32),
        pltpu.VMEM((NBINS,), jnp.float32),
        pltpu.VMEM((L,), jnp.float32),
    ],
)
def _epilogue(parts_hbm, edges_hbm, out_hbm, parts_v, edges_v, cum_v, out_v):
    wid = _worker_id()

    @pl.when(wid == 0)
    def _():
        pltpu.sync_copy(parts_hbm, parts_v)
        pltpu.sync_copy(edges_hbm, edges_v)

        def cum_it(j, carry):
            jb = pl.multiple_of(j * L, L)
            acc = parts_v[pl.ds(jb, L)]
            for w in range(1, NW):
                acc = acc + parts_v[pl.ds(w * NBINS + jb, L)]
            c = plsc.cumsum(acc) + carry
            cum_v[pl.ds(jb, L)] = c
            return jnp.max(c)

        total = lax.fori_loop(0, NBINS // L, cum_it, jnp.float32(0.0))

        t1 = total * jnp.float32(_W1) * jnp.float32(0.5)
        t2 = total * jnp.float32(_W2) * jnp.float32(0.5)

        def cnt_it(j, carry):
            lo, hi = carry
            c = cum_v[pl.ds(pl.multiple_of(j * L, L), L)]
            lo = lo + plsc.all_reduce_population_count(c <= t1)
            hi = hi + plsc.all_reduce_population_count(c <= t2)
            return (lo, hi)

        zi = jnp.zeros((L,), jnp.int32)
        lo_idx, hi_idx = lax.fori_loop(0, NBINS // L, cnt_it, (zi, zi))

        minv = plsc.load_gather(edges_v, [lo_idx])
        maxv = plsc.load_gather(edges_v, [hi_idx])
        lane = jnp.arange(L, dtype=jnp.int32)
        out_v[...] = jnp.where(lane == 0, minv, jnp.where(lane == 1, maxv, 0.0))
        pltpu.sync_copy(out_v, out_hbm)


def kernel(tensor):
    parts = _minmax(tensor).reshape(NW, 2, L)
    tmin = parts[:, 0, :].min()
    tmax = parts[:, 1, :].max()
    edges = jnp.linspace(tmin, tmax, NBINS + 1).astype(jnp.float32)
    scale = jnp.float32(256.0) / (tmax - tmin)
    edges_pad = jnp.concatenate([edges, jnp.zeros((EPAD - (NBINS + 1),), jnp.float32)])
    edges_hi_pad = jnp.concatenate([edges[1:], jnp.zeros((EPAD - NBINS,), jnp.float32)])
    tmin_eps = tmin + jnp.float32(0.01) / scale
    params = jnp.concatenate(
        [jnp.stack([tmin, tmax, scale, tmin_eps]), jnp.zeros((L - 4,), jnp.float32)]
    )
    hist_parts = _hist(tensor, edges_hi_pad, params)
    out = _epilogue(hist_parts, edges_pad)
    return (out[0], out[1])

# --- scband reference (transcript-rebuilt; emitter-appended) ---
"""Pipeline reference for scband-histogram-range-tracker-54279796686865 (READ-ONLY COPY).

The authoritative reference and input builder live on the scoring server;
editing this copy changes nothing except your own understanding.
"""

import jax, jax.numpy as jnp
import numpy as np

COVERAGE = 0.99

def setup_inputs(seed: int = 0) -> dict:
    key = jax.random.key(seed)
    tensor = jax.random.normal(key, (16777216,), dtype=jnp.float32)
    return {"tensor": tensor}

def reference(tensor):
    # Faithful translation of HistogramRangeTracker.forward (torch.no_grad block)
    tmin = tensor.min()
    tmax = tensor.max()
    hist, bin_edges = jnp.histogram(tensor, bins=256, range=(tmin, tmax))
    cumulative_hist = jnp.cumsum(hist)
    total_count = cumulative_hist[-1]
    lower_idx = jnp.argmax(cumulative_hist > total_count * (1 - COVERAGE) / 2)
    upper_idx = jnp.argmax(cumulative_hist > total_count * (1 + COVERAGE) / 2)
    min_value = bin_edges[lower_idx]
    max_value = bin_edges[upper_idx]
    return (min_value, max_value)

if __name__ == "__main__":
    import jax
    _d = setup_inputs()
    print(jax.jit(kernel)(*tuple(_d.values())))

</pallas_src>

<mosaic_0001>
#map = affine_map<(d0, d1) -> (0)>
module attributes {stable_mosaic.version = 14 : i64} {
  func.func @_minmax(%arg0: i32, %arg1: i32, %arg2: memref<16777216xf32, #tpu.memory_space<hbm>>, %arg3: memref<1024xf32, #tpu.memory_space<hbm>>, %arg4: memref<32768xf32, #tpu.memory_space<vmem>>, %arg5: memref<32768xf32, #tpu.memory_space<vmem>>, %arg6: memref<32xf32, #tpu.memory_space<vmem>>, %arg7: memref<!tpu.dma_semaphore, #tpu.memory_space<semaphore_mem>>, %arg8: memref<!tpu.dma_semaphore, #tpu.memory_space<semaphore_mem>>) attributes {dimension_semantics = [#tpu.dimension_semantics<core_parallel>, #tpu.dimension_semantics<subcore_parallel>], iteration_bounds = array<i64: 2, 16>, scalar_prefetch = 0 : i64, scratch_operands = 5 : i64, tpu.core_type = #tpu.core_type<sc_vector_subcore>, window_params = [{transform_indices = #map}, {transform_indices = #map}]} {
    %mul3A = arith.constant 2 : i32
    %mul3A_0 = arith.muli %arg1, %mul3A : i32
    %add3A = arith.addi %mul3A_0, %arg0 : i32
    %mul3A_1 = arith.constant 524288 : i32
    %mul3A_2 = arith.muli %add3A, %mul3A_1 : i32
    %multiple_of3A = tpu.assume_multiple %mul3A_2, 524288 : i32
    %broadcast_in_dim3A = arith.constant 0x7F800000 : f32
    %broadcast_in_dim3A_3 = vector.broadcast %broadcast_in_dim3A : f32 to vector<16xf32>
    %broadcast_in_dim3A_4 = arith.constant 0xFF800000 : f32
    %broadcast_in_dim3A_5 = vector.broadcast %broadcast_in_dim3A_4 : f32 to vector<16xf32>
    %add3A_6 = arith.constant 0 : i32
    %add3A_7 = arith.addi %multiple_of3A, %add3A_6 : i32
    %multiple_of3A_8 = tpu.assume_multiple %add3A_7, 32768 : i32
    %dma_start3A = tpu.memref_slice %arg2[%multiple_of3A_8] : memref<16777216xf32, #tpu.memory_space<hbm>> -> memref<32768xf32, #tpu.memory_space<hbm>>
    %dma_start3A_9 = tpu.memref_slice %arg2[%multiple_of3A_8] : memref<16777216xf32, #tpu.memory_space<hbm>> -> memref<32768xf32, #tpu.memory_space<hbm>>
    tpu.enqueue_dma source(%dma_start3A_9 : memref<32768xf32, #tpu.memory_space<hbm>>) target(%arg4 : memref<32768xf32, #tpu.memory_space<vmem>>) target_semaphore(%arg7 : memref<!tpu.dma_semaphore, #tpu.memory_space<semaphore_mem>>)
    %add3A_10 = arith.constant 32768 : i32
    %add3A_11 = arith.addi %multiple_of3A, %add3A_10 : i32
    %multiple_of3A_12 = tpu.assume_multiple %add3A_11, 32768 : i32
    %dma_start3A_13 = tpu.memref_slice %arg2[%multiple_of3A_12] : memref<16777216xf32, #tpu.memory_space<hbm>> -> memref<32768xf32, #tpu.memory_space<hbm>>
    %dma_start3A_14 = tpu.memref_slice %arg2[%multiple_of3A_12] : memref<16777216xf32, #tpu.memory_space<hbm>> -> memref<32768xf32, #tpu.memory_space<hbm>>
    tpu.enqueue_dma source(%dma_start3A_14 : memref<32768xf32, #tpu.memory_space<hbm>>) target(%arg5 : memref<32768xf32, #tpu.memory_space<vmem>>) target_semaphore(%arg8 : memref<!tpu.dma_semaphore, #tpu.memory_space<semaphore_mem>>)
    %scan3A = arith.constant 0 : i32
    %scan3A_15 = arith.constant 8 : i32
    %scan3A_16 = arith.addi %scan3A, %scan3A_15 : i32
    %scan3A_17 = arith.constant 1 : i32
    %scan3A_18:2 = scf.for %scan3A_28 = %scan3A to %scan3A_16 step %scan3A_17 iter_args(%scan3A_29 = %broadcast_in_dim3A_3, %scan3A_30 = %broadcast_in_dim3A_5) -> (vector<16xf32>, vector<16xf32>)  : i32 {
      %mul3A_31 = arith.constant 2 : i32
      %mul3A_32 = arith.muli %scan3A_28, %mul3A_31 : i32
      %add3A_33 = arith.constant 0 : i32
      %add3A_34 = arith.addi %mul3A_32, %add3A_33 : i32
      %dma_wait3A = arith.constant 0 : i32
      %dma_wait3A_35 = tpu.memref_slice %arg2[%dma_wait3A] : memref<16777216xf32, #tpu.memory_space<hbm>> -> memref<32768xf32, #tpu.memory_space<hbm>>
      %dma_wait3A_36 = arith.constant 0 : i32
      %dma_wait3A_37 = tpu.memref_slice %arg2[%dma_wait3A_36] : memref<16777216xf32, #tpu.memory_space<hbm>> -> memref<32768xf32, #tpu.memory_space<hbm>>
      tpu.wait_dma2 semaphore(%arg7 : memref<!tpu.dma_semaphore, #tpu.memory_space<semaphore_mem>>) src(%dma_wait3A_37 : memref<32768xf32, #tpu.memory_space<hbm>>) dst(%arg4 : memref<32768xf32, #tpu.memory_space<vmem>>)
      %parallel_loop3A = arith.constant 0 : i32
      %parallel_loop3A_38 = arith.constant 2048 : i32
      %parallel_loop3A_39 = arith.constant 1 : i32
      %parallel_loop3A_40:2 = scf.for %parallel_loop3A_64 = %parallel_loop3A to %parallel_loop3A_38 step %parallel_loop3A_39 iter_args(%parallel_loop3A_65 = %scan3A_29, %parallel_loop3A_66 = %scan3A_30) -> (vector<16xf32>, vector<16xf32>)  : i32 {
        %parallel_loop3A_67 = arith.constant 16 : i32
        %parallel_loop3A_68 = arith.muli %parallel_loop3A_64, %parallel_loop3A_67 : i32
        %parallel_loop3A_69 = tpu.assume_multiple %parallel_loop3A_68, 16 : i32
        %parallel_loop3A_70 = arith.index_cast %parallel_loop3A_69 : i32 to index
        %parallel_loop3A_71 = tpu.vector_load %arg4[%parallel_loop3A_70] {strides = array<i32>} : memref<32768xf32, #tpu.memory_space<vmem>>, vector<16xf32>,
        %parallel_loop3A_72 = arith.minimumf %parallel_loop3A_65, %parallel_loop3A_71 : vector<16xf32>
        %parallel_loop3A_73 = arith.maximumf %parallel_loop3A_66, %parallel_loop3A_71 : vector<16xf32>
        scf.yield %parallel_loop3A_72, %parallel_loop3A_73 : vector<16xf32>, vector<16xf32>
      } {sc.loop_unroll_factor = 8 : i64, sc.parallel_access}
      %add3A_41 = arith.constant 2 : i32
      %add3A_42 = arith.addi %add3A_34, %add3A_41 : i32
      %lt3A = arith.constant 16 : i32
      %lt3A_43 = arith.cmpi slt, %add3A_42, %lt3A : i32
      %convert_element_type3A = arith.extui %lt3A_43 : i1 to i32
      %cond3A = arith.constant 0 : i32
      %cond3A_44 = arith.cmpi ne, %convert_element_type3A, %cond3A : i32
      scf.if %cond3A_44 {
        %add3A_64 = arith.constant 2 : i32
        %add3A_65 = arith.addi %add3A_34, %add3A_64 : i32
        %mul3A_66 = arith.constant 32768 : i32
        %mul3A_67 = arith.muli %add3A_65, %mul3A_66 : i32
        %add3A_68 = arith.addi %multiple_of3A, %mul3A_67 : i32
        %multiple_of3A_69 = tpu.assume_multiple %add3A_68, 32768 : i32
        %dma_start3A_70 = tpu.memref_slice %arg2[%multiple_of3A_69] : memref<16777216xf32, #tpu.memory_space<hbm>> -> memref<32768xf32, #tpu.memory_space<hbm>>
        %dma_start3A_71 = tpu.memref_slice %arg2[%multiple_of3A_69] : memref<16777216xf32, #tpu.memory_space<hbm>> -> memref<32768xf32, #tpu.memory_space<hbm>>
        tpu.enqueue_dma source(%dma_start3A_71 : memref<32768xf32, #tpu.memory_space<hbm>>) target(%arg4 : memref<32768xf32, #tpu.memory_space<vmem>>) target_semaphore(%arg7 : memref<!tpu.dma_semaphore, #tpu.memory_space<semaphore_mem>>)
      } else {
      }
      %mul3A_45 = arith.constant 2 : i32
      %mul3A_46 = arith.muli %scan3A_28, %mul3A_45 : i32
      %add3A_47 = arith.constant 1 : i32
      %add3A_48 = arith.addi %mul3A_46, %add3A_47 : i32
      %dma_wait3A_49 = arith.constant 0 : i32
      %dma_wait3A_50 = tpu.memref_slice %arg2[%dma_wait3A_49] : memref<16777216xf32, #tpu.memory_space<hbm>> -> memref<32768xf32, #tpu.memory_space<hbm>>
      %dma_wait3A_51 = arith.constant 0 : i32
      %dma_wait3A_52 = tpu.memref_slice %arg2[%dma_wait3A_51] : memref<16777216xf32, #tpu.memory_space<hbm>> -> memref<32768xf32, #tpu.memory_space<hbm>>
      tpu.wait_dma2 semaphore(%arg8 : memref<!tpu.dma_semaphore, #tpu.memory_space<semaphore_mem>>) src(%dma_wait3A_52 : memref<32768xf32, #tpu.memory_space<hbm>>) dst(%arg5 : memref<32768xf32, #tpu.memory_space<vmem>>)
      %parallel_loop3A_53 = arith.constant 0 : i32
      %parallel_loop3A_54 = arith.constant 2048 : i32
      %parallel_loop3A_55 = arith.constant 1 : i32
      %parallel_loop3A_56:2 = scf.for %parallel_loop3A_64 = %parallel_loop3A_53 to %parallel_loop3A_54 step %parallel_loop3A_55 iter_args(%parallel_loop3A_65 = %parallel_loop3A_40#0, %parallel_loop3A_66 = %parallel_loop3A_40#1) -> (vector<16xf32>, vector<16xf32>)  : i32 {
        %parallel_loop3A_67 = arith.constant 16 : i32
        %parallel_loop3A_68 = arith.muli %parallel_loop3A_64, %parallel_loop3A_67 : i32
        %parallel_loop3A_69 = tpu.assume_multiple %parallel_loop3A_68, 16 : i32
        %parallel_loop3A_70 = arith.index_cast %parallel_loop3A_69 : i32 to index
        %parallel_loop3A_71 = tpu.vector_load %arg5[%parallel_loop3A_70] {strides = array<i32>} : memref<32768xf32, #tpu.memory_space<vmem>>, vector<16xf32>,
        %parallel_loop3A_72 = arith.minimumf %parallel_loop3A_65, %parallel_loop3A_71 : vector<16xf32>
        %parallel_loop3A_73 = arith.maximumf %parallel_loop3A_66, %parallel_loop3A_71 : vector<16xf32>
        scf.yield %parallel_loop3A_72, %parallel_loop3A_73 : vector<16xf32>, vector<16xf32>
      } {sc.loop_unroll_factor = 8 : i64, sc.parallel_access}
      %add3A_57 = arith.constant 2 : i32
      %add3A_58 = arith.addi %add3A_48, %add3A_57 : i32
      %lt3A_59 = arith.constant 16 : i32
      %lt3A_60 = arith.cmpi slt, %add3A_58, %lt3A_59 : i32
      %convert_element_type3A_61 = arith.extui %lt3A_60 : i1 to i32
      %cond3A_62 = arith.constant 0 : i32
      %cond3A_63 = arith.cmpi ne, %convert_element_type3A_61, %cond3A_62 : i32
      scf.if %cond3A_63 {
        %add3A_64 = arith.constant 2 : i32
        %add3A_65 = arith.addi %add3A_48, %add3A_64 : i32
        %mul3A_66 = arith.constant 32768 : i32
        %mul3A_67 = arith.muli %add3A_65, %mul3A_66 : i32
        %add3A_68 = arith.addi %multiple_of3A, %mul3A_67 : i32
        %multiple_of3A_69 = tpu.assume_multiple %add3A_68, 32768 : i32
        %dma_start3A_70 = tpu.memref_slice %arg2[%multiple_of3A_69] : memref<16777216xf32, #tpu.memory_space<hbm>> -> memref<32768xf32, #tpu.memory_space<hbm>>
        %dma_start3A_71 = tpu.memref_slice %arg2[%multiple_of3A_69] : memref<16777216xf32, #tpu.memory_space<hbm>> -> memref<32768xf32, #tpu.memory_space<hbm>>
        tpu.enqueue_dma source(%dma_start3A_71 : memref<32768xf32, #tpu.memory_space<hbm>>) target(%arg5 : memref<32768xf32, #tpu.memory_space<vmem>>) target_semaphore(%arg8 : memref<!tpu.dma_semaphore, #tpu.memory_space<semaphore_mem>>)
      } else {
      }
      scf.yield %parallel_loop3A_56#0, %parallel_loop3A_56#1 : vector<16xf32>, vector<16xf32>
    }
    %scan3A_19 = arith.constant 8 : i32
    %swap3A = arith.constant 0 : index
    %swap3A_20 = tpu.vector_load %arg6[%swap3A] {strides = array<i32>} : memref<32xf32, #tpu.memory_space<vmem>>, vector<16xf32>,
    tpu.vector_store %arg6[%swap3A], %scan3A_18#0 {strides = array<i32>} : memref<32xf32, #tpu.memory_space<vmem>>, vector<16xf32>,
    %swap3A_21 = arith.constant 16 : index
    %swap3A_22 = tpu.vector_load %arg6[%swap3A_21] {strides = array<i32>} : memref<32xf32, #tpu.memory_space<vmem>>, vector<16xf32>,
    tpu.vector_store %arg6[%swap3A_21], %scan3A_18#1 {strides = array<i32>} : memref<32xf32, #tpu.memory_space<vmem>>, vector<16xf32>,
    %mul3A_23 = arith.constant 2 : i32
    %mul3A_24 = arith.muli %add3A, %mul3A_23 : i32
    %mul3A_25 = arith.constant 16 : i32
    %mul3A_26 = arith.muli %mul3A_24, %mul3A_25 : i32
    %multiple_of3A_27 = tpu.assume_multiple %mul3A_26, 32 : i32
    "tpu.region"() ({
      %run_scoped3A = tpu.sem_alloc : memref<!tpu.dma_semaphore, #tpu.memory_space<semaphore_mem>>
      %dma_start3A_28 = tpu.memref_slice %arg3[%multiple_of3A_27] : memref<1024xf32, #tpu.memory_space<hbm>> -> memref<32xf32, #tpu.memory_space<hbm>>
      %dma_start3A_29 = tpu.memref_slice %arg3[%multiple_of3A_27] : memref<1024xf32, #tpu.memory_space<hbm>> -> memref<32xf32, #tpu.memory_space<hbm>>
      tpu.enqueue_dma source(%arg6 : memref<32xf32, #tpu.memory_space<vmem>>) target(%dma_start3A_29 : memref<32xf32, #tpu.memory_space<hbm>>) target_semaphore(%run_scoped3A : memref<!tpu.dma_semaphore, #tpu.memory_space<semaphore_mem>>)
      %dma_wait3A = tpu.memref_slice %arg3[%multiple_of3A_27] : memref<1024xf32, #tpu.memory_space<hbm>> -> memref<32xf32, #tpu.memory_space<hbm>>
      %dma_wait3A_30 = tpu.memref_slice %arg3[%multiple_of3A_27] : memref<1024xf32, #tpu.memory_space<hbm>> -> memref<32xf32, #tpu.memory_space<hbm>>
      tpu.wait_dma2 semaphore(%run_scoped3A : memref<!tpu.dma_semaphore, #tpu.memory_space<semaphore_mem>>) src(%arg6 : memref<32xf32, #tpu.memory_space<vmem>>) dst(%dma_wait3A_30 : memref<32xf32, #tpu.memory_space<hbm>>)
      tpu.yield
    }) : () -> ()
    return
  }
}

#map = affine_map<(d0, d1) -> (0)>
module attributes {stable_mosaic.version = 14 : i64} {
  func.func @_hist(%arg0: i32, %arg1: i32, %arg2: memref<16777216xf32, #tpu.memory_space<hbm>>, %arg3: memref<272xf32, #tpu.memory_space<hbm>>, %arg4: memref<16xf32, #tpu.memory_space<hbm>>, %arg5: memref<8192xf32, #tpu.memory_space<hbm>>, %arg6: memref<32768xf32, #tpu.memory_space<vmem>>, %arg7: memref<32768xf32, #tpu.memory_space<vmem>>, %arg8: memref<272xf32, #tpu.memory_space<vmem>>, %arg9: memref<16xf32, #tpu.memory_space<vmem>>, %arg10: memref<4112xf32, #tpu.memory_space<vmem>>, %arg11: memref<256xf32, #tpu.memory_space<vmem>>, %arg12: memref<!tpu.dma_semaphore, #tpu.memory_space<semaphore_mem>>, %arg13: memref<!tpu.dma_semaphore, #tpu.memory_space<semaphore_mem>>) attributes {dimension_semantics = [#tpu.dimension_semantics<core_parallel>, #tpu.dimension_semantics<subcore_parallel>], iteration_bounds = array<i64: 2, 16>, scalar_prefetch = 0 : i64, scratch_operands = 8 : i64, tpu.core_type = #tpu.core_type<sc_vector_subcore>, window_params = [{transform_indices = #map}, {transform_indices = #map}, {transform_indices = #map}, {transform_indices = #map}]} {
    %mul3A = arith.constant 2 : i32
    %mul3A_0 = arith.muli %arg1, %mul3A : i32
    %add3A = arith.addi %mul3A_0, %arg0 : i32
    %mul3A_1 = arith.constant 524288 : i32
    %mul3A_2 = arith.muli %add3A, %mul3A_1 : i32
    %multiple_of3A = tpu.assume_multiple %mul3A_2, 524288 : i32
    "tpu.region"() ({
      %run_scoped3A = tpu.sem_alloc : memref<!tpu.dma_semaphore, #tpu.memory_space<semaphore_mem>>
      tpu.enqueue_dma source(%arg3 : memref<272xf32, #tpu.memory_space<hbm>>) target(%arg8 : memref<272xf32, #tpu.memory_space<vmem>>) target_semaphore(%run_scoped3A : memref<!tpu.dma_semaphore, #tpu.memory_space<semaphore_mem>>)
      tpu.wait_dma2 semaphore(%run_scoped3A : memref<!tpu.dma_semaphore, #tpu.memory_space<semaphore_mem>>) src(%arg3 : memref<272xf32, #tpu.memory_space<hbm>>) dst(%arg8 : memref<272xf32, #tpu.memory_space<vmem>>)
      tpu.yield
    }) : () -> ()
    "tpu.region"() ({
      %run_scoped3A = tpu.sem_alloc : memref<!tpu.dma_semaphore, #tpu.memory_space<semaphore_mem>>
      tpu.enqueue_dma source(%arg4 : memref<16xf32, #tpu.memory_space<hbm>>) target(%arg9 : memref<16xf32, #tpu.memory_space<vmem>>) target_semaphore(%run_scoped3A : memref<!tpu.dma_semaphore, #tpu.memory_space<semaphore_mem>>)
      tpu.wait_dma2 semaphore(%run_scoped3A : memref<!tpu.dma_semaphore, #tpu.memory_space<semaphore_mem>>) src(%arg4 : memref<16xf32, #tpu.memory_space<hbm>>) dst(%arg9 : memref<16xf32, #tpu.memory_space<vmem>>)
      tpu.yield
    }) : () -> ()
    %get3A = arith.constant 0 : index
    %get3A_3 = tpu.vector_load %arg9[%get3A] {strides = array<i32>} : memref<16xf32, #tpu.memory_space<vmem>>, vector<16xf32>,
    %slice3A = vector.extract_strided_slice %get3A_3 {offsets = [2], sizes = [1], strides = [1]} : vector<16xf32> to vector<1xf32>
    %squeeze3A = vector.extract %slice3A[0] : f32 from vector<1xf32>
    %slice3A_4 = vector.extract_strided_slice %get3A_3 {offsets = [3], sizes = [1], strides = [1]} : vector<16xf32> to vector<1xf32>
    %squeeze3A_5 = vector.extract %slice3A_4[0] : f32 from vector<1xf32>
    %broadcast_in_dim3A = arith.constant 0.000000e+00 : f32
    %broadcast_in_dim3A_6 = vector.broadcast %broadcast_in_dim3A : f32 to vector<16xf32>
    %scan3A = arith.constant 0 : i32
    %scan3A_7 = arith.constant 0 : i32
    %scan3A_8 = arith.constant 257 : i32
    %scan3A_9 = arith.addi %scan3A_7, %scan3A_8 : i32
    %scan3A_10 = arith.constant 1 : i32
    scf.for %scan3A_57 = %scan3A_7 to %scan3A_9 step %scan3A_10  : i32 {
      %mul3A_58 = arith.constant 16 : i32
      %mul3A_59 = arith.muli %scan3A_57, %mul3A_58 : i32
      %multiple_of3A_60 = tpu.assume_multiple %mul3A_59, 16 : i32
      %swap3A_61 = arith.index_cast %multiple_of3A_60 : i32 to index
      %swap3A_62 = tpu.vector_load %arg10[%swap3A_61] {strides = array<i32>} : memref<4112xf32, #tpu.memory_space<vmem>>, vector<16xf32>,
      tpu.vector_store %arg10[%swap3A_61], %broadcast_in_dim3A_6 {strides = array<i32>} : memref<4112xf32, #tpu.memory_space<vmem>>, vector<16xf32>,
    }
    %scan3A_11 = arith.constant 257 : i32
    %iota3A = tpu.iota {dimensions = array<i32: 0>} : vector<16xi32>
    %mul3A_12 = arith.constant 257 : i32
    %mul3A_13 = vector.broadcast %mul3A_12 : i32 to vector<16xi32>
    %mul3A_14 = arith.muli %iota3A, %mul3A_13 : vector<16xi32>
    %broadcast_in_dim3A_15 = arith.constant 1.000000e+00 : f32
    %broadcast_in_dim3A_16 = vector.broadcast %broadcast_in_dim3A_15 : f32 to vector<16xf32>
    %broadcast_in_dim3A_17 = arith.constant 0.000000e+00 : f32
    %broadcast_in_dim3A_18 = vector.broadcast %broadcast_in_dim3A_17 : f32 to vector<16xf32>
    %add3A_19 = arith.constant 0 : i32
    %add3A_20 = arith.addi %multiple_of3A, %add3A_19 : i32
    %multiple_of3A_21 = tpu.assume_multiple %add3A_20, 32768 : i32
    %dma_start3A = tpu.memref_slice %arg2[%multiple_of3A_21] : memref<16777216xf32, #tpu.memory_space<hbm>> -> memref<32768xf32, #tpu.memory_space<hbm>>
    %dma_start3A_22 = tpu.memref_slice %arg2[%multiple_of3A_21] : memref<16777216xf32, #tpu.memory_space<hbm>> -> memref<32768xf32, #tpu.memory_space<hbm>>
    tpu.enqueue_dma source(%dma_start3A_22 : memref<32768xf32, #tpu.memory_space<hbm>>) target(%arg6 : memref<32768xf32, #tpu.memory_space<vmem>>) target_semaphore(%arg12 : memref<!tpu.dma_semaphore, #tpu.memory_space<semaphore_mem>>)
    %add3A_23 = arith.constant 32768 : i32
    %add3A_24 = arith.addi %multiple_of3A, %add3A_23 : i32
    %multiple_of3A_25 = tpu.assume_multiple %add3A_24, 32768 : i32
    %dma_start3A_26 = tpu.memref_slice %arg2[%multiple_of3A_25] : memref<16777216xf32, #tpu.memory_space<hbm>> -> memref<32768xf32, #tpu.memory_space<hbm>>
    %dma_start3A_27 = tpu.memref_slice %arg2[%multiple_of3A_25] : memref<16777216xf32, #tpu.memory_space<hbm>> -> memref<32768xf32, #tpu.memory_space<hbm>>
    tpu.enqueue_dma source(%dma_start3A_27 : memref<32768xf32, #tpu.memory_space<hbm>>) target(%arg7 : memref<32768xf32, #tpu.memory_space<vmem>>) target_semaphore(%arg13 : memref<!tpu.dma_semaphore, #tpu.memory_space<semaphore_mem>>)
    %scan3A_28 = arith.constant 0 : i32
    %scan3A_29 = arith.constant 0 : i32
    %scan3A_30 = arith.constant 8 : i32
    %scan3A_31 = arith.addi %scan3A_29, %scan3A_30 : i32
    %scan3A_32 = arith.constant 1 : i32
    scf.for %scan3A_57 = %scan3A_29 to %scan3A_31 step %scan3A_32  : i32 {
      %mul3A_58 = arith.constant 2 : i32
      %mul3A_59 = arith.muli %scan3A_57, %mul3A_58 : i32
      %add3A_60 = arith.constant 0 : i32
      %add3A_61 = arith.addi %mul3A_59, %add3A_60 : i32
      %dma_wait3A = arith.constant 0 : i32
      %dma_wait3A_62 = tpu.memref_slice %arg2[%dma_wait3A] : memref<16777216xf32, #tpu.memory_space<hbm>> -> memref<32768xf32, #tpu.memory_space<hbm>>
      %dma_wait3A_63 = arith.constant 0 : i32
      %dma_wait3A_64 = tpu.memref_slice %arg2[%dma_wait3A_63] : memref<16777216xf32, #tpu.memory_space<hbm>> -> memref<32768xf32, #tpu.memory_space<hbm>>
      tpu.wait_dma2 semaphore(%arg12 : memref<!tpu.dma_semaphore, #tpu.memory_space<semaphore_mem>>) src(%dma_wait3A_64 : memref<32768xf32, #tpu.memory_space<hbm>>) dst(%arg6 : memref<32768xf32, #tpu.memory_space<vmem>>)
      %parallel_loop3A = arith.constant 0 : i32
      %parallel_loop3A_65 = arith.constant 2048 : i32
      %parallel_loop3A_66 = arith.constant 1 : i32
      scf.for %parallel_loop3A_89 = %parallel_loop3A to %parallel_loop3A_65 step %parallel_loop3A_66  : i32 {
        %parallel_loop3A_90 = arith.constant 16 : i32
        %parallel_loop3A_91 = arith.muli %parallel_loop3A_89, %parallel_loop3A_90 : i32
        %parallel_loop3A_92 = tpu.assume_multiple %parallel_loop3A_91, 16 : i32
        %parallel_loop3A_93 = arith.index_cast %parallel_loop3A_92 : i32 to index
        %parallel_loop3A_94 = tpu.vector_load %arg6[%parallel_loop3A_93] {strides = array<i32>} : memref<32768xf32, #tpu.memory_space<vmem>>, vector<16xf32>,
        %parallel_loop3A_95 = vector.broadcast %squeeze3A_5 : f32 to vector<16xf32>
        %parallel_loop3A_96 = arith.subf %parallel_loop3A_94, %parallel_loop3A_95 : vector<16xf32>
        %parallel_loop3A_97 = vector.broadcast %squeeze3A : f32 to vector<16xf32>
        %parallel_loop3A_98 = arith.mulf %parallel_loop3A_96, %parallel_loop3A_97 : vector<16xf32>
        %parallel_loop3A_99 = arith.maximumf %parallel_loop3A_98, %broadcast_in_dim3A_18 : vector<16xf32>
        %parallel_loop3A_100 = arith.fptosi %parallel_loop3A_99 : vector<16xf32> to vector<16xi32>
        %parallel_loop3A_101 = tpu.vector_load_idx %arg8[%parallel_loop3A_100] : memref<272xf32, #tpu.memory_space<vmem>>[vector<16xi32>], vector<16xf32>,
        %parallel_loop3A_102 = arith.cmpf oge, %parallel_loop3A_94, %parallel_loop3A_101 : vector<16xf32>
        %parallel_loop3A_103 = arith.extui %parallel_loop3A_102 : vector<16xi1> to vector<16xi32>
        %parallel_loop3A_104 = arith.addi %parallel_loop3A_100, %parallel_loop3A_103 : vector<16xi32>
        %parallel_loop3A_105 = arith.addi %parallel_loop3A_104, %mul3A_14 : vector<16xi32>
        tpu.vector_store_idx %arg10[%parallel_loop3A_105], %broadcast_in_dim3A_16 {add = true} : memref<4112xf32, #tpu.memory_space<vmem>>[vector<16xi32>], vector<16xf32>,
      } {sc.loop_unroll_factor = 8 : i64, sc.parallel_access}
      %add3A_67 = arith.constant 2 : i32
      %add3A_68 = arith.addi %add3A_61, %add3A_67 : i32
      %lt3A = arith.constant 16 : i32
      %lt3A_69 = arith.cmpi slt, %add3A_68, %lt3A : i32
      %convert_element_type3A = arith.extui %lt3A_69 : i1 to i32
      %cond3A = arith.constant 0 : i32
      %cond3A_70 = arith.cmpi ne, %convert_element_type3A, %cond3A : i32
      scf.if %cond3A_70 {
        %add3A_89 = arith.constant 2 : i32
        %add3A_90 = arith.addi %add3A_61, %add3A_89 : i32
        %mul3A_91 = arith.constant 32768 : i32
        %mul3A_92 = arith.muli %add3A_90, %mul3A_91 : i32
        %add3A_93 = arith.addi %multiple_of3A, %mul3A_92 : i32
        %multiple_of3A_94 = tpu.assume_multiple %add3A_93, 32768 : i32
        %dma_start3A_95 = tpu.memref_slice %arg2[%multiple_of3A_94] : memref<16777216xf32, #tpu.memory_space<hbm>> -> memref<32768xf32, #tpu.memory_space<hbm>>
        %dma_start3A_96 = tpu.memref_slice %arg2[%multiple_of3A_94] : memref<16777216xf32, #tpu.memory_space<hbm>> -> memref<32768xf32, #tpu.memory_space<hbm>>
        tpu.enqueue_dma source(%dma_start3A_96 : memref<32768xf32, #tpu.memory_space<hbm>>) target(%arg6 : memref<32768xf32, #tpu.memory_space<vmem>>) target_semaphore(%arg12 : memref<!tpu.dma_semaphore, #tpu.memory_space<semaphore_mem>>)
      } else {
      }
      %mul3A_71 = arith.constant 2 : i32
      %mul3A_72 = arith.muli %scan3A_57, %mul3A_71 : i32
      %add3A_73 = arith.constant 1 : i32
      %add3A_74 = arith.addi %mul3A_72, %add3A_73 : i32
      %dma_wait3A_75 = arith.constant 0 : i32
      %dma_wait3A_76 = tpu.memref_slice %arg2[%dma_wait3A_75] : memref<16777216xf32, #tpu.memory_space<hbm>> -> memref<32768xf32, #tpu.memory_space<hbm>>
      %dma_wait3A_77 = arith.constant 0 : i32
      %dma_wait3A_78 = tpu.memref_slice %arg2[%dma_wait3A_77] : memref<16777216xf32, #tpu.memory_space<hbm>> -> memref<32768xf32, #tpu.memory_space<hbm>>
      tpu.wait_dma2 semaphore(%arg13 : memref<!tpu.dma_semaphore, #tpu.memory_space<semaphore_mem>>) src(%dma_wait3A_78 : memref<32768xf32, #tpu.memory_space<hbm>>) dst(%arg7 : memref<32768xf32, #tpu.memory_space<vmem>>)
      %parallel_loop3A_79 = arith.constant 0 : i32
      %parallel_loop3A_80 = arith.constant 2048 : i32
      %parallel_loop3A_81 = arith.constant 1 : i32
      scf.for %parallel_loop3A_89 = %parallel_loop3A_79 to %parallel_loop3A_80 step %parallel_loop3A_81  : i32 {
        %parallel_loop3A_90 = arith.constant 16 : i32
        %parallel_loop3A_91 = arith.muli %parallel_loop3A_89, %parallel_loop3A_90 : i32
        %parallel_loop3A_92 = tpu.assume_multiple %parallel_loop3A_91, 16 : i32
        %parallel_loop3A_93 = arith.index_cast %parallel_loop3A_92 : i32 to index
        %parallel_loop3A_94 = tpu.vector_load %arg7[%parallel_loop3A_93] {strides = array<i32>} : memref<32768xf32, #tpu.memory_space<vmem>>, vector<16xf32>,
        %parallel_loop3A_95 = vector.broadcast %squeeze3A_5 : f32 to vector<16xf32>
        %parallel_loop3A_96 = arith.subf %parallel_loop3A_94, %parallel_loop3A_95 : vector<16xf32>
        %parallel_loop3A_97 = vector.broadcast %squeeze3A : f32 to vector<16xf32>
        %parallel_loop3A_98 = arith.mulf %parallel_loop3A_96, %parallel_loop3A_97 : vector<16xf32>
        %parallel_loop3A_99 = arith.maximumf %parallel_loop3A_98, %broadcast_in_dim3A_18 : vector<16xf32>
        %parallel_loop3A_100 = arith.fptosi %parallel_loop3A_99 : vector<16xf32> to vector<16xi32>
        %parallel_loop3A_101 = tpu.vector_load_idx %arg8[%parallel_loop3A_100] : memref<272xf32, #tpu.memory_space<vmem>>[vector<16xi32>], vector<16xf32>,
        %parallel_loop3A_102 = arith.cmpf oge, %parallel_loop3A_94, %parallel_loop3A_101 : vector<16xf32>
        %parallel_loop3A_103 = arith.extui %parallel_loop3A_102 : vector<16xi1> to vector<16xi32>
        %parallel_loop3A_104 = arith.addi %parallel_loop3A_100, %parallel_loop3A_103 : vector<16xi32>
        %parallel_loop3A_105 = arith.addi %parallel_loop3A_104, %mul3A_14 : vector<16xi32>
        tpu.vector_store_idx %arg10[%parallel_loop3A_105], %broadcast_in_dim3A_16 {add = true} : memref<4112xf32, #tpu.memory_space<vmem>>[vector<16xi32>], vector<16xf32>,
      } {sc.loop_unroll_factor = 8 : i64, sc.parallel_access}
      %add3A_82 = arith.constant 2 : i32
      %add3A_83 = arith.addi %add3A_74, %add3A_82 : i32
      %lt3A_84 = arith.constant 16 : i32
      %lt3A_85 = arith.cmpi slt, %add3A_83, %lt3A_84 : i32
      %convert_element_type3A_86 = arith.extui %lt3A_85 : i1 to i32
      %cond3A_87 = arith.constant 0 : i32
      %cond3A_88 = arith.cmpi ne, %convert_element_type3A_86, %cond3A_87 : i32
      scf.if %cond3A_88 {
        %add3A_89 = arith.constant 2 : i32
        %add3A_90 = arith.addi %add3A_74, %add3A_89 : i32
        %mul3A_91 = arith.constant 32768 : i32
        %mul3A_92 = arith.muli %add3A_90, %mul3A_91 : i32
        %add3A_93 = arith.addi %multiple_of3A, %mul3A_92 : i32
        %multiple_of3A_94 = tpu.assume_multiple %add3A_93, 32768 : i32
        %dma_start3A_95 = tpu.memref_slice %arg2[%multiple_of3A_94] : memref<16777216xf32, #tpu.memory_space<hbm>> -> memref<32768xf32, #tpu.memory_space<hbm>>
        %dma_start3A_96 = tpu.memref_slice %arg2[%multiple_of3A_94] : memref<16777216xf32, #tpu.memory_space<hbm>> -> memref<32768xf32, #tpu.memory_space<hbm>>
        tpu.enqueue_dma source(%dma_start3A_96 : memref<32768xf32, #tpu.memory_space<hbm>>) target(%arg7 : memref<32768xf32, #tpu.memory_space<vmem>>) target_semaphore(%arg13 : memref<!tpu.dma_semaphore, #tpu.memory_space<semaphore_mem>>)
      } else {
      }
    }
    %scan3A_33 = arith.constant 8 : i32
    %scan3A_34 = arith.constant 0 : i32
    %scan3A_35 = arith.constant 0 : i32
    %scan3A_36 = arith.constant 16 : i32
    %scan3A_37 = arith.addi %scan3A_35, %scan3A_36 : i32
    %scan3A_38 = arith.constant 1 : i32
    scf.for %scan3A_57 = %scan3A_35 to %scan3A_37 step %scan3A_38  : i32 {
      %mul3A_58 = arith.constant 16 : i32
      %mul3A_59 = arith.muli %scan3A_57, %mul3A_58 : i32
      %multiple_of3A_60 = tpu.assume_multiple %mul3A_59, 16 : i32
      %get3A_61 = arith.index_cast %multiple_of3A_60 : i32 to index
      %get3A_62 = tpu.vector_load %arg10[%get3A_61] {strides = array<i32>} : memref<4112xf32, #tpu.memory_space<vmem>>, vector<16xf32>,
      %add3A_63 = arith.constant 257 : i32
      %add3A_64 = arith.addi %add3A_63, %multiple_of3A_60 : i32
      %get3A_65 = arith.index_cast %add3A_64 : i32 to index
      %get3A_66 = tpu.vector_load %arg10[%get3A_65] {strides = array<i32>} : memref<4112xf32, #tpu.memory_space<vmem>>, vector<16xf32>,
      %add3A_67 = arith.addf %get3A_62, %get3A_66 : vector<16xf32>
      %add3A_68 = arith.constant 514 : i32
      %add3A_69 = arith.addi %add3A_68, %multiple_of3A_60 : i32
      %get3A_70 = arith.index_cast %add3A_69 : i32 to index
      %get3A_71 = tpu.vector_load %arg10[%get3A_70] {strides = array<i32>} : memref<4112xf32, #tpu.memory_space<vmem>>, vector<16xf32>,
      %add3A_72 = arith.addf %add3A_67, %get3A_71 : vector<16xf32>
      %add3A_73 = arith.constant 771 : i32
      %add3A_74 = arith.addi %add3A_73, %multiple_of3A_60 : i32
      %get3A_75 = arith.index_cast %add3A_74 : i32 to index
      %get3A_76 = tpu.vector_load %arg10[%get3A_75] {strides = array<i32>} : memref<4112xf32, #tpu.memory_space<vmem>>, vector<16xf32>,
      %add3A_77 = arith.addf %add3A_72, %get3A_76 : vector<16xf32>
      %add3A_78 = arith.constant 1028 : i32
      %add3A_79 = arith.addi %add3A_78, %multiple_of3A_60 : i32
      %get3A_80 = arith.index_cast %add3A_79 : i32 to index
      %get3A_81 = tpu.vector_load %arg10[%get3A_80] {strides = array<i32>} : memref<4112xf32, #tpu.memory_space<vmem>>, vector<16xf32>,
      %add3A_82 = arith.addf %add3A_77, %get3A_81 : vector<16xf32>
      %add3A_83 = arith.constant 1285 : i32
      %add3A_84 = arith.addi %add3A_83, %multiple_of3A_60 : i32
      %get3A_85 = arith.index_cast %add3A_84 : i32 to index
      %get3A_86 = tpu.vector_load %arg10[%get3A_85] {strides = array<i32>} : memref<4112xf32, #tpu.memory_space<vmem>>, vector<16xf32>,
      %add3A_87 = arith.addf %add3A_82, %get3A_86 : vector<16xf32>
      %add3A_88 = arith.constant 1542 : i32
      %add3A_89 = arith.addi %add3A_88, %multiple_of3A_60 : i32
      %get3A_90 = arith.index_cast %add3A_89 : i32 to index
      %get3A_91 = tpu.vector_load %arg10[%get3A_90] {strides = array<i32>} : memref<4112xf32, #tpu.memory_space<vmem>>, vector<16xf32>,
      %add3A_92 = arith.addf %add3A_87, %get3A_91 : vector<16xf32>
      %add3A_93 = arith.constant 1799 : i32
      %add3A_94 = arith.addi %add3A_93, %multiple_of3A_60 : i32
      %get3A_95 = arith.index_cast %add3A_94 : i32 to index
      %get3A_96 = tpu.vector_load %arg10[%get3A_95] {strides = array<i32>} : memref<4112xf32, #tpu.memory_space<vmem>>, vector<16xf32>,
      %add3A_97 = arith.addf %add3A_92, %get3A_96 : vector<16xf32>
      %add3A_98 = arith.constant 2056 : i32
      %add3A_99 = arith.addi %add3A_98, %multiple_of3A_60 : i32
      %get3A_100 = arith.index_cast %add3A_99 : i32 to index
      %get3A_101 = tpu.vector_load %arg10[%get3A_100] {strides = array<i32>} : memref<4112xf32, #tpu.memory_space<vmem>>, vector<16xf32>,
      %add3A_102 = arith.addf %add3A_97, %get3A_101 : vector<16xf32>
      %add3A_103 = arith.constant 2313 : i32
      %add3A_104 = arith.addi %add3A_103, %multiple_of3A_60 : i32
      %get3A_105 = arith.index_cast %add3A_104 : i32 to index
      %get3A_106 = tpu.vector_load %arg10[%get3A_105] {strides = array<i32>} : memref<4112xf32, #tpu.memory_space<vmem>>, vector<16xf32>,
      %add3A_107 = arith.addf %add3A_102, %get3A_106 : vector<16xf32>
      %add3A_108 = arith.constant 2570 : i32
      %add3A_109 = arith.addi %add3A_108, %multiple_of3A_60 : i32
      %get3A_110 = arith.index_cast %add3A_109 : i32 to index
      %get3A_111 = tpu.vector_load %arg10[%get3A_110] {strides = array<i32>} : memref<4112xf32, #tpu.memory_space<vmem>>, vector<16xf32>,
      %add3A_112 = arith.addf %add3A_107, %get3A_111 : vector<16xf32>
      %add3A_113 = arith.constant 2827 : i32
      %add3A_114 = arith.addi %add3A_113, %multiple_of3A_60 : i32
      %get3A_115 = arith.index_cast %add3A_114 : i32 to index
      %get3A_116 = tpu.vector_load %arg10[%get3A_115] {strides = array<i32>} : memref<4112xf32, #tpu.memory_space<vmem>>, vector<16xf32>,
      %add3A_117 = arith.addf %add3A_112, %get3A_116 : vector<16xf32>
      %add3A_118 = arith.constant 3084 : i32
      %add3A_119 = arith.addi %add3A_118, %multiple_of3A_60 : i32
      %get3A_120 = arith.index_cast %add3A_119 : i32 to index
      %get3A_121 = tpu.vector_load %arg10[%get3A_120] {strides = array<i32>} : memref<4112xf32, #tpu.memory_space<vmem>>, vector<16xf32>,
      %add3A_122 = arith.addf %add3A_117, %get3A_121 : vector<16xf32>
      %add3A_123 = arith.constant 3341 : i32
      %add3A_124 = arith.addi %add3A_123, %multiple_of3A_60 : i32
      %get3A_125 = arith.index_cast %add3A_124 : i32 to index
      %get3A_126 = tpu.vector_load %arg10[%get3A_125] {strides = array<i32>} : memref<4112xf32, #tpu.memory_space<vmem>>, vector<16xf32>,
      %add3A_127 = arith.addf %add3A_122, %get3A_126 : vector<16xf32>
      %add3A_128 = arith.constant 3598 : i32
      %add3A_129 = arith.addi %add3A_128, %multiple_of3A_60 : i32
      %get3A_130 = arith.index_cast %add3A_129 : i32 to index
      %get3A_131 = tpu.vector_load %arg10[%get3A_130] {strides = array<i32>} : memref<4112xf32, #tpu.memory_space<vmem>>, vector<16xf32>,
      %add3A_132 = arith.addf %add3A_127, %get3A_131 : vector<16xf32>
      %add3A_133 = arith.constant 3855 : i32
      %add3A_134 = arith.addi %add3A_133, %multiple_of3A_60 : i32
      %get3A_135 = arith.index_cast %add3A_134 : i32 to index
      %get3A_136 = tpu.vector_load %arg10[%get3A_135] {strides = array<i32>} : memref<4112xf32, #tpu.memory_space<vmem>>, vector<16xf32>,
      %add3A_137 = arith.addf %add3A_132, %get3A_136 : vector<16xf32>
      %swap3A_138 = arith.index_cast %multiple_of3A_60 : i32 to index
      %swap3A_139 = tpu.vector_load %arg11[%swap3A_138] {strides = array<i32>} : memref<256xf32, #tpu.memory_space<vmem>>, vector<16xf32>,
      tpu.vector_store %arg11[%swap3A_138], %add3A_137 {strides = array<i32>} : memref<256xf32, #tpu.memory_space<vmem>>, vector<16xf32>,
    }
    %scan3A_39 = arith.constant 16 : i32
    %add3A_40 = arith.constant 256 : i32
    %add3A_41 = vector.broadcast %add3A_40 : i32 to vector<16xi32>
    %add3A_42 = arith.addi %mul3A_14, %add3A_41 : vector<16xi32>
    %gather3A = tpu.vector_load_idx %arg10[%add3A_42] : memref<4112xf32, #tpu.memory_space<vmem>>[vector<16xi32>], vector<16xf32>,
    %reduce_sum3A = arith.constant true
    %reduce_sum3A_43 = vector.broadcast %reduce_sum3A : i1 to vector<16xi1>
    %reduce_sum3A_44 = tpu.scan <sum>, %gather3A masked %reduce_sum3A_43 : vector<16xf32>, vector<16xi1> -> vector<16xf32>
    %reduce_sum3A_45 = vector.extract %reduce_sum3A_44[15] : f32 from vector<16xf32>
    %get3A_46 = arith.constant 240 : index
    %get3A_47 = tpu.vector_load %arg11[%get3A_46] {strides = array<i32>} : memref<256xf32, #tpu.memory_space<vmem>>, vector<16xf32>,
    %eq3A = arith.constant 15 : i32
    %eq3A_48 = vector.broadcast %eq3A : i32 to vector<16xi32>
    %eq3A_49 = arith.cmpi eq, %iota3A, %eq3A_48 : vector<16xi32>
    %jit3A = arith.constant 0.000000e+00 : f32
    %broadcast_in_dim3A_50 = vector.broadcast %reduce_sum3A_45 : f32 to vector<16xf32>
    %broadcast_in_dim3A_51 = vector.broadcast %jit3A : f32 to vector<16xf32>
    %select_n3A = arith.select %eq3A_49, %broadcast_in_dim3A_50, %broadcast_in_dim3A_51 : vector<16xi1>, vector<16xf32>
    %add3A_52 = arith.addf %get3A_47, %select_n3A : vector<16xf32>
    %swap3A = arith.constant 240 : index
    %swap3A_53 = tpu.vector_load %arg11[%swap3A] {strides = array<i32>} : memref<256xf32, #tpu.memory_space<vmem>>, vector<16xf32>,
    tpu.vector_store %arg11[%swap3A], %add3A_52 {strides = array<i32>} : memref<256xf32, #tpu.memory_space<vmem>>, vector<16xf32>,
    %mul3A_54 = arith.constant 256 : i32
    %mul3A_55 = arith.muli %add3A, %mul3A_54 : i32
    %multiple_of3A_56 = tpu.assume_multiple %mul3A_55, 256 : i32
    "tpu.region"() ({
      %run_scoped3A = tpu.sem_alloc : memref<!tpu.dma_semaphore, #tpu.memory_space<semaphore_mem>>
      %dma_start3A_57 = tpu.memref_slice %arg5[%multiple_of3A_56] : memref<8192xf32, #tpu.memory_space<hbm>> -> memref<256xf32, #tpu.memory_space<hbm>>
      %dma_start3A_58 = tpu.memref_slice %arg5[%multiple_of3A_56] : memref<8192xf32, #tpu.memory_space<hbm>> -> memref<256xf32, #tpu.memory_space<hbm>>
      tpu.enqueue_dma source(%arg11 : memref<256xf32, #tpu.memory_space<vmem>>) target(%dma_start3A_58 : memref<256xf32, #tpu.memory_space<hbm>>) target_semaphore(%run_scoped3A : memref<!tpu.dma_semaphore, #tpu.memory_space<semaphore_mem>>)
      %dma_wait3A = tpu.memref_slice %arg5[%multiple_of3A_56] : memref<8192xf32, #tpu.memory_space<hbm>> -> memref<256xf32, #tpu.memory_space<hbm>>
      %dma_wait3A_59 = tpu.memref_slice %arg5[%multiple_of3A_56] : memref<8192xf32, #tpu.memory_space<hbm>> -> memref<256xf32, #tpu.memory_space<hbm>>
      tpu.wait_dma2 semaphore(%run_scoped3A : memref<!tpu.dma_semaphore, #tpu.memory_space<semaphore_mem>>) src(%arg11 : memref<256xf32, #tpu.memory_space<vmem>>) dst(%dma_wait3A_59 : memref<256xf32, #tpu.memory_space<hbm>>)
      tpu.yield
    }) : () -> ()
    return
  }
}

#map = affine_map<(d0, d1) -> (0)>
module attributes {stable_mosaic.version = 14 : i64} {
  func.func @_epilogue(%arg0: i32, %arg1: i32, %arg2: memref<8192xf32, #tpu.memory_space<hbm>>, %arg3: memref<272xf32, #tpu.memory_space<hbm>>, %arg4: memref<16xf32, #tpu.memory_space<hbm>>, %arg5: memref<8192xf32, #tpu.memory_space<vmem>>, %arg6: memref<272xf32, #tpu.memory_space<vmem>>, %arg7: memref<256xf32, #tpu.memory_space<vmem>>, %arg8: memref<16xf32, #tpu.memory_space<vmem>>) attributes {dimension_semantics = [#tpu.dimension_semantics<core_parallel>, #tpu.dimension_semantics<subcore_parallel>], iteration_bounds = array<i64: 2, 16>, scalar_prefetch = 0 : i64, scratch_operands = 4 : i64, tpu.core_type = #tpu.core_type<sc_vector_subcore>, window_params = [{transform_indices = #map}, {transform_indices = #map}, {transform_indices = #map}]} {
    %mul3A = arith.constant 2 : i32
    %mul3A_0 = arith.muli %arg1, %mul3A : i32
    %add3A = arith.addi %mul3A_0, %arg0 : i32
    %eq3A = arith.constant 0 : i32
    %eq3A_1 = arith.cmpi eq, %add3A, %eq3A : i32
    %convert_element_type3A = arith.extui %eq3A_1 : i1 to i32
    %cond3A = arith.constant 0 : i32
    %cond3A_2 = arith.cmpi ne, %convert_element_type3A, %cond3A : i32
    scf.if %cond3A_2 {
      "tpu.region"() ({
        %run_scoped3A = tpu.sem_alloc : memref<!tpu.dma_semaphore, #tpu.memory_space<semaphore_mem>>
        tpu.enqueue_dma source(%arg2 : memref<8192xf32, #tpu.memory_space<hbm>>) target(%arg5 : memref<8192xf32, #tpu.memory_space<vmem>>) target_semaphore(%run_scoped3A : memref<!tpu.dma_semaphore, #tpu.memory_space<semaphore_mem>>)
        tpu.wait_dma2 semaphore(%run_scoped3A : memref<!tpu.dma_semaphore, #tpu.memory_space<semaphore_mem>>) src(%arg2 : memref<8192xf32, #tpu.memory_space<hbm>>) dst(%arg5 : memref<8192xf32, #tpu.memory_space<vmem>>)
        tpu.yield
      }) : () -> ()
      "tpu.region"() ({
        %run_scoped3A = tpu.sem_alloc : memref<!tpu.dma_semaphore, #tpu.memory_space<semaphore_mem>>
        tpu.enqueue_dma source(%arg3 : memref<272xf32, #tpu.memory_space<hbm>>) target(%arg6 : memref<272xf32, #tpu.memory_space<vmem>>) target_semaphore(%run_scoped3A : memref<!tpu.dma_semaphore, #tpu.memory_space<semaphore_mem>>)
        tpu.wait_dma2 semaphore(%run_scoped3A : memref<!tpu.dma_semaphore, #tpu.memory_space<semaphore_mem>>) src(%arg3 : memref<272xf32, #tpu.memory_space<hbm>>) dst(%arg6 : memref<272xf32, #tpu.memory_space<vmem>>)
        tpu.yield
      }) : () -> ()
      %scan3A = arith.constant 0.000000e+00 : f32
      %scan3A_3 = arith.constant 0 : i32
      %scan3A_4 = arith.constant 16 : i32
      %scan3A_5 = arith.addi %scan3A_3, %scan3A_4 : i32
      %scan3A_6 = arith.constant 1 : i32
      %scan3A_7 = scf.for %scan3A_34 = %scan3A_3 to %scan3A_5 step %scan3A_6 iter_args(%scan3A_35 = %scan3A) -> (f32)  : i32 {
        %mul3A_36 = arith.constant 16 : i32
        %mul3A_37 = arith.muli %scan3A_34, %mul3A_36 : i32
        %multiple_of3A = tpu.assume_multiple %mul3A_37, 16 : i32
        %get3A = arith.index_cast %multiple_of3A : i32 to index
        %get3A_38 = tpu.vector_load %arg5[%get3A] {strides = array<i32>} : memref<8192xf32, #tpu.memory_space<vmem>>, vector<16xf32>,
        %add3A_39 = arith.constant 256 : i32
        %add3A_40 = arith.addi %add3A_39, %multiple_of3A : i32
        %get3A_41 = arith.index_cast %add3A_40 : i32 to index
        %get3A_42 = tpu.vector_load %arg5[%get3A_41] {strides = array<i32>} : memref<8192xf32, #tpu.memory_space<vmem>>, vector<16xf32>,
        %add3A_43 = arith.addf %get3A_38, %get3A_42 : vector<16xf32>
        %add3A_44 = arith.constant 512 : i32
        %add3A_45 = arith.addi %add3A_44, %multiple_of3A : i32
        %get3A_46 = arith.index_cast %add3A_45 : i32 to index
        %get3A_47 = tpu.vector_load %arg5[%get3A_46] {strides = array<i32>} : memref<8192xf32, #tpu.memory_space<vmem>>, vector<16xf32>,
        %add3A_48 = arith.addf %add3A_43, %get3A_47 : vector<16xf32>
        %add3A_49 = arith.constant 768 : i32
        %add3A_50 = arith.addi %add3A_49, %multiple_of3A : i32
        %get3A_51 = arith.index_cast %add3A_50 : i32 to index
        %get3A_52 = tpu.vector_load %arg5[%get3A_51] {strides = array<i32>} : memref<8192xf32, #tpu.memory_space<vmem>>, vector<16xf32>,
        %add3A_53 = arith.addf %add3A_48, %get3A_52 : vector<16xf32>
        %add3A_54 = arith.constant 1024 : i32
        %add3A_55 = arith.addi %add3A_54, %multiple_of3A : i32
        %get3A_56 = arith.index_cast %add3A_55 : i32 to index
        %get3A_57 = tpu.vector_load %arg5[%get3A_56] {strides = array<i32>} : memref<8192xf32, #tpu.memory_space<vmem>>, vector<16xf32>,
        %add3A_58 = arith.addf %add3A_53, %get3A_57 : vector<16xf32>
        %add3A_59 = arith.constant 1280 : i32
        %add3A_60 = arith.addi %add3A_59, %multiple_of3A : i32
        %get3A_61 = arith.index_cast %add3A_60 : i32 to index
        %get3A_62 = tpu.vector_load %arg5[%get3A_61] {strides = array<i32>} : memref<8192xf32, #tpu.memory_space<vmem>>, vector<16xf32>,
        %add3A_63 = arith.addf %add3A_58, %get3A_62 : vector<16xf32>
        %add3A_64 = arith.constant 1536 : i32
        %add3A_65 = arith.addi %add3A_64, %multiple_of3A : i32
        %get3A_66 = arith.index_cast %add3A_65 : i32 to index
        %get3A_67 = tpu.vector_load %arg5[%get3A_66] {strides = array<i32>} : memref<8192xf32, #tpu.memory_space<vmem>>, vector<16xf32>,
        %add3A_68 = arith.addf %add3A_63, %get3A_67 : vector<16xf32>
        %add3A_69 = arith.constant 1792 : i32
        %add3A_70 = arith.addi %add3A_69, %multiple_of3A : i32
        %get3A_71 = arith.index_cast %add3A_70 : i32 to index
        %get3A_72 = tpu.vector_load %arg5[%get3A_71] {strides = array<i32>} : memref<8192xf32, #tpu.memory_space<vmem>>, vector<16xf32>,
        %add3A_73 = arith.addf %add3A_68, %get3A_72 : vector<16xf32>
        %add3A_74 = arith.constant 2048 : i32
        %add3A_75 = arith.addi %add3A_74, %multiple_of3A : i32
        %get3A_76 = arith.index_cast %add3A_75 : i32 to index
        %get3A_77 = tpu.vector_load %arg5[%get3A_76] {strides = array<i32>} : memref<8192xf32, #tpu.memory_space<vmem>>, vector<16xf32>,
        %add3A_78 = arith.addf %add3A_73, %get3A_77 : vector<16xf32>
        %add3A_79 = arith.constant 2304 : i32
        %add3A_80 = arith.addi %add3A_79, %multiple_of3A : i32
        %get3A_81 = arith.index_cast %add3A_80 : i32 to index
        %get3A_82 = tpu.vector_load %arg5[%get3A_81] {strides = array<i32>} : memref<8192xf32, #tpu.memory_space<vmem>>, vector<16xf32>,
        %add3A_83 = arith.addf %add3A_78, %get3A_82 : vector<16xf32>
        %add3A_84 = arith.constant 2560 : i32
        %add3A_85 = arith.addi %add3A_84, %multiple_of3A : i32
        %get3A_86 = arith.index_cast %add3A_85 : i32 to index
        %get3A_87 = tpu.vector_load %arg5[%get3A_86] {strides = array<i32>} : memref<8192xf32, #tpu.memory_space<vmem>>, vector<16xf32>,
        %add3A_88 = arith.addf %add3A_83, %get3A_87 : vector<16xf32>
        %add3A_89 = arith.constant 2816 : i32
        %add3A_90 = arith.addi %add3A_89, %multiple_of3A : i32
        %get3A_91 = arith.index_cast %add3A_90 : i32 to index
        %get3A_92 = tpu.vector_load %arg5[%get3A_91] {strides = array<i32>} : memref<8192xf32, #tpu.memory_space<vmem>>, vector<16xf32>,
        %add3A_93 = arith.addf %add3A_88, %get3A_92 : vector<16xf32>
        %add3A_94 = arith.constant 3072 : i32
        %add3A_95 = arith.addi %add3A_94, %multiple_of3A : i32
        %get3A_96 = arith.index_cast %add3A_95 : i32 to index
        %get3A_97 = tpu.vector_load %arg5[%get3A_96] {strides = array<i32>} : memref<8192xf32, #tpu.memory_space<vmem>>, vector<16xf32>,
        %add3A_98 = arith.addf %add3A_93, %get3A_97 : vector<16xf32>
        %add3A_99 = arith.constant 3328 : i32
        %add3A_100 = arith.addi %add3A_99, %multiple_of3A : i32
        %get3A_101 = arith.index_cast %add3A_100 : i32 to index
        %get3A_102 = tpu.vector_load %arg5[%get3A_101] {strides = array<i32>} : memref<8192xf32, #tpu.memory_space<vmem>>, vector<16xf32>,
        %add3A_103 = arith.addf %add3A_98, %get3A_102 : vector<16xf32>
        %add3A_104 = arith.constant 3584 : i32
        %add3A_105 = arith.addi %add3A_104, %multiple_of3A : i32
        %get3A_106 = arith.index_cast %add3A_105 : i32 to index
        %get3A_107 = tpu.vector_load %arg5[%get3A_106] {strides = array<i32>} : memref<8192xf32, #tpu.memory_space<vmem>>, vector<16xf32>,
        %add3A_108 = arith.addf %add3A_103, %get3A_107 : vector<16xf32>
        %add3A_109 = arith.constant 3840 : i32
        %add3A_110 = arith.addi %add3A_109, %multiple_of3A : i32
        %get3A_111 = arith.index_cast %add3A_110 : i32 to index
        %get3A_112 = tpu.vector_load %arg5[%get3A_111] {strides = array<i32>} : memref<8192xf32, #tpu.memory_space<vmem>>, vector<16xf32>,
        %add3A_113 = arith.addf %add3A_108, %get3A_112 : vector<16xf32>
        %add3A_114 = arith.constant 4096 : i32
        %add3A_115 = arith.addi %add3A_114, %multiple_of3A : i32
        %get3A_116 = arith.index_cast %add3A_115 : i32 to index
        %get3A_117 = tpu.vector_load %arg5[%get3A_116] {strides = array<i32>} : memref<8192xf32, #tpu.memory_space<vmem>>, vector<16xf32>,
        %add3A_118 = arith.addf %add3A_113, %get3A_117 : vector<16xf32>
        %add3A_119 = arith.constant 4352 : i32
        %add3A_120 = arith.addi %add3A_119, %multiple_of3A : i32
        %get3A_121 = arith.index_cast %add3A_120 : i32 to index
        %get3A_122 = tpu.vector_load %arg5[%get3A_121] {strides = array<i32>} : memref<8192xf32, #tpu.memory_space<vmem>>, vector<16xf32>,
        %add3A_123 = arith.addf %add3A_118, %get3A_122 : vector<16xf32>
        %add3A_124 = arith.constant 4608 : i32
        %add3A_125 = arith.addi %add3A_124, %multiple_of3A : i32
        %get3A_126 = arith.index_cast %add3A_125 : i32 to index
        %get3A_127 = tpu.vector_load %arg5[%get3A_126] {strides = array<i32>} : memref<8192xf32, #tpu.memory_space<vmem>>, vector<16xf32>,
        %add3A_128 = arith.addf %add3A_123, %get3A_127 : vector<16xf32>
        %add3A_129 = arith.constant 4864 : i32
        %add3A_130 = arith.addi %add3A_129, %multiple_of3A : i32
        %get3A_131 = arith.index_cast %add3A_130 : i32 to index
        %get3A_132 = tpu.vector_load %arg5[%get3A_131] {strides = array<i32>} : memref<8192xf32, #tpu.memory_space<vmem>>, vector<16xf32>,
        %add3A_133 = arith.addf %add3A_128, %get3A_132 : vector<16xf32>
        %add3A_134 = arith.constant 5120 : i32
        %add3A_135 = arith.addi %add3A_134, %multiple_of3A : i32
        %get3A_136 = arith.index_cast %add3A_135 : i32 to index
        %get3A_137 = tpu.vector_load %arg5[%get3A_136] {strides = array<i32>} : memref<8192xf32, #tpu.memory_space<vmem>>, vector<16xf32>,
        %add3A_138 = arith.addf %add3A_133, %get3A_137 : vector<16xf32>
        %add3A_139 = arith.constant 5376 : i32
        %add3A_140 = arith.addi %add3A_139, %multiple_of3A : i32
        %get3A_141 = arith.index_cast %add3A_140 : i32 to index
        %get3A_142 = tpu.vector_load %arg5[%get3A_141] {strides = array<i32>} : memref<8192xf32, #tpu.memory_space<vmem>>, vector<16xf32>,
        %add3A_143 = arith.addf %add3A_138, %get3A_142 : vector<16xf32>
        %add3A_144 = arith.constant 5632 : i32
        %add3A_145 = arith.addi %add3A_144, %multiple_of3A : i32
        %get3A_146 = arith.index_cast %add3A_145 : i32 to index
        %get3A_147 = tpu.vector_load %arg5[%get3A_146] {strides = array<i32>} : memref<8192xf32, #tpu.memory_space<vmem>>, vector<16xf32>,
        %add3A_148 = arith.addf %add3A_143, %get3A_147 : vector<16xf32>
        %add3A_149 = arith.constant 5888 : i32
        %add3A_150 = arith.addi %add3A_149, %multiple_of3A : i32
        %get3A_151 = arith.index_cast %add3A_150 : i32 to index
        %get3A_152 = tpu.vector_load %arg5[%get3A_151] {strides = array<i32>} : memref<8192xf32, #tpu.memory_space<vmem>>, vector<16xf32>,
        %add3A_153 = arith.addf %add3A_148, %get3A_152 : vector<16xf32>
        %add3A_154 = arith.constant 6144 : i32
        %add3A_155 = arith.addi %add3A_154, %multiple_of3A : i32
        %get3A_156 = arith.index_cast %add3A_155 : i32 to index
        %get3A_157 = tpu.vector_load %arg5[%get3A_156] {strides = array<i32>} : memref<8192xf32, #tpu.memory_space<vmem>>, vector<16xf32>,
        %add3A_158 = arith.addf %add3A_153, %get3A_157 : vector<16xf32>
        %add3A_159 = arith.constant 6400 : i32
        %add3A_160 = arith.addi %add3A_159, %multiple_of3A : i32
        %get3A_161 = arith.index_cast %add3A_160 : i32 to index
        %get3A_162 = tpu.vector_load %arg5[%get3A_161] {strides = array<i32>} : memref<8192xf32, #tpu.memory_space<vmem>>, vector<16xf32>,
        %add3A_163 = arith.addf %add3A_158, %get3A_162 : vector<16xf32>
        %add3A_164 = arith.constant 6656 : i32
        %add3A_165 = arith.addi %add3A_164, %multiple_of3A : i32
        %get3A_166 = arith.index_cast %add3A_165 : i32 to index
        %get3A_167 = tpu.vector_load %arg5[%get3A_166] {strides = array<i32>} : memref<8192xf32, #tpu.memory_space<vmem>>, vector<16xf32>,
        %add3A_168 = arith.addf %add3A_163, %get3A_167 : vector<16xf32>
        %add3A_169 = arith.constant 6912 : i32
        %add3A_170 = arith.addi %add3A_169, %multiple_of3A : i32
        %get3A_171 = arith.index_cast %add3A_170 : i32 to index
        %get3A_172 = tpu.vector_load %arg5[%get3A_171] {strides = array<i32>} : memref<8192xf32, #tpu.memory_space<vmem>>, vector<16xf32>,
        %add3A_173 = arith.addf %add3A_168, %get3A_172 : vector<16xf32>
        %add3A_174 = arith.constant 7168 : i32
        %add3A_175 = arith.addi %add3A_174, %multiple_of3A : i32
        %get3A_176 = arith.index_cast %add3A_175 : i32 to index
        %get3A_177 = tpu.vector_load %arg5[%get3A_176] {strides = array<i32>} : memref<8192xf32, #tpu.memory_space<vmem>>, vector<16xf32>,
        %add3A_178 = arith.addf %add3A_173, %get3A_177 : vector<16xf32>
        %add3A_179 = arith.constant 7424 : i32
        %add3A_180 = arith.addi %add3A_179, %multiple_of3A : i32
        %get3A_181 = arith.index_cast %add3A_180 : i32 to index
        %get3A_182 = tpu.vector_load %arg5[%get3A_181] {strides = array<i32>} : memref<8192xf32, #tpu.memory_space<vmem>>, vector<16xf32>,
        %add3A_183 = arith.addf %add3A_178, %get3A_182 : vector<16xf32>
        %add3A_184 = arith.constant 7680 : i32
        %add3A_185 = arith.addi %add3A_184, %multiple_of3A : i32
        %get3A_186 = arith.index_cast %add3A_185 : i32 to index
        %get3A_187 = tpu.vector_load %arg5[%get3A_186] {strides = array<i32>} : memref<8192xf32, #tpu.memory_space<vmem>>, vector<16xf32>,
        %add3A_188 = arith.addf %add3A_183, %get3A_187 : vector<16xf32>
        %add3A_189 = arith.constant 7936 : i32
        %add3A_190 = arith.addi %add3A_189, %multiple_of3A : i32
        %get3A_191 = arith.index_cast %add3A_190 : i32 to index
        %get3A_192 = tpu.vector_load %arg5[%get3A_191] {strides = array<i32>} : memref<8192xf32, #tpu.memory_space<vmem>>, vector<16xf32>,
        %add3A_193 = arith.addf %add3A_188, %get3A_192 : vector<16xf32>
        %broadcast_in_dim3A_194 = arith.constant true
        %broadcast_in_dim3A_195 = vector.broadcast %broadcast_in_dim3A_194 : i1 to vector<16xi1>
        %masked_cumsum3A = tpu.scan <sum>, %add3A_193 masked %broadcast_in_dim3A_195 : vector<16xf32>, vector<16xi1> -> vector<16xf32>
        %add3A_196 = vector.broadcast %scan3A_35 : f32 to vector<16xf32>
        %add3A_197 = arith.addf %masked_cumsum3A, %add3A_196 : vector<16xf32>
        %swap3A_198 = arith.index_cast %multiple_of3A : i32 to index
        %swap3A_199 = tpu.vector_load %arg7[%swap3A_198] {strides = array<i32>} : memref<256xf32, #tpu.memory_space<vmem>>, vector<16xf32>,
        tpu.vector_store %arg7[%swap3A_198], %add3A_197 {strides = array<i32>} : memref<256xf32, #tpu.memory_space<vmem>>, vector<16xf32>,
        %reduce_max3A = arith.constant true
        %reduce_max3A_200 = vector.broadcast %reduce_max3A : i1 to vector<16xi1>
        %reduce_max3A_201 = tpu.scan <max>, %add3A_197 masked %reduce_max3A_200 : vector<16xf32>, vector<16xi1> -> vector<16xf32>
        %reduce_max3A_202 = vector.extract %reduce_max3A_201[15] : f32 from vector<16xf32>
        scf.yield %reduce_max3A_202 : f32
      }
      %scan3A_8 = arith.constant 16 : i32
      %mul3A_9 = arith.constant 0.00999999977 : f32
      %mul3A_10 = arith.mulf %scan3A_7, %mul3A_9 : f32
      %mul3A_11 = arith.constant 5.000000e-01 : f32
      %mul3A_12 = arith.mulf %mul3A_10, %mul3A_11 : f32
      %mul3A_13 = arith.constant 1.990000e+00 : f32
      %mul3A_14 = arith.mulf %scan3A_7, %mul3A_13 : f32
      %mul3A_15 = arith.constant 5.000000e-01 : f32
      %mul3A_16 = arith.mulf %mul3A_14, %mul3A_15 : f32
      %broadcast_in_dim3A = arith.constant 0 : i32
      %broadcast_in_dim3A_17 = vector.broadcast %broadcast_in_dim3A : i32 to vector<16xi32>
      %scan3A_18 = arith.constant 0 : i32
      %scan3A_19 = arith.constant 16 : i32
      %scan3A_20 = arith.addi %scan3A_18, %scan3A_19 : i32
      %scan3A_21 = arith.constant 1 : i32
      %scan3A_22:2 = scf.for %scan3A_34 = %scan3A_18 to %scan3A_20 step %scan3A_21 iter_args(%scan3A_35 = %broadcast_in_dim3A_17, %scan3A_36 = %broadcast_in_dim3A_17) -> (vector<16xi32>, vector<16xi32>)  : i32 {
        %mul3A_37 = arith.constant 16 : i32
        %mul3A_38 = arith.muli %scan3A_34, %mul3A_37 : i32
        %multiple_of3A = tpu.assume_multiple %mul3A_38, 16 : i32
        %get3A = arith.index_cast %multiple_of3A : i32 to index
        %get3A_39 = tpu.vector_load %arg7[%get3A] {strides = array<i32>} : memref<256xf32, #tpu.memory_space<vmem>>, vector<16xf32>,
        %le3A = vector.broadcast %mul3A_12 : f32 to vector<16xf32>
        %le3A_40 = arith.cmpf ole, %get3A_39, %le3A : vector<16xf32>
        %all_reduce_population_count3A = tpu.all_reduce %le3A_40 {dim = 0 : i64, kind = #tpu.reduction_kind<sum>} : vector<16xi1> -> vector<16xi32>
        %add3A_41 = arith.addi %scan3A_35, %all_reduce_population_count3A : vector<16xi32>
        %le3A_42 = vector.broadcast %mul3A_16 : f32 to vector<16xf32>
        %le3A_43 = arith.cmpf ole, %get3A_39, %le3A_42 : vector<16xf32>
        %all_reduce_population_count3A_44 = tpu.all_reduce %le3A_43 {dim = 0 : i64, kind = #tpu.reduction_kind<sum>} : vector<16xi1> -> vector<16xi32>
        %add3A_45 = arith.addi %scan3A_36, %all_reduce_population_count3A_44 : vector<16xi32>
        scf.yield %add3A_41, %add3A_45 : vector<16xi32>, vector<16xi32>
      }
      %scan3A_23 = arith.constant 16 : i32
      %gather3A = tpu.vector_load_idx %arg6[%scan3A_22#0] : memref<272xf32, #tpu.memory_space<vmem>>[vector<16xi32>], vector<16xf32>,
      %gather3A_24 = tpu.vector_load_idx %arg6[%scan3A_22#1] : memref<272xf32, #tpu.memory_space<vmem>>[vector<16xi32>], vector<16xf32>,
      %iota3A = tpu.iota {dimensions = array<i32: 0>} : vector<16xi32>
      %eq3A_25 = arith.constant 0 : i32
      %eq3A_26 = vector.broadcast %eq3A_25 : i32 to vector<16xi32>
      %eq3A_27 = arith.cmpi eq, %iota3A, %eq3A_26 : vector<16xi32>
      %eq3A_28 = arith.constant 1 : i32
      %eq3A_29 = vector.broadcast %eq3A_28 : i32 to vector<16xi32>
      %eq3A_30 = arith.cmpi eq, %iota3A, %eq3A_29 : vector<16xi32>
      %jit3A = arith.constant 0.000000e+00 : f32
      %broadcast_in_dim3A_31 = vector.broadcast %jit3A : f32 to vector<16xf32>
      %select_n3A = arith.select %eq3A_30, %gather3A_24, %broadcast_in_dim3A_31 : vector<16xi1>, vector<16xf32>
      %select_n3A_32 = arith.select %eq3A_27, %gather3A, %select_n3A : vector<16xi1>, vector<16xf32>
      %swap3A = arith.constant 0 : index
      %swap3A_33 = tpu.vector_load %arg8[%swap3A] {strides = array<i32>} : memref<16xf32, #tpu.memory_space<vmem>>, vector<16xf32>,
      tpu.vector_store %arg8[%swap3A], %select_n3A_32 {strides = array<i32>} : memref<16xf32, #tpu.memory_space<vmem>>, vector<16xf32>,
      "tpu.region"() ({
        %run_scoped3A = tpu.sem_alloc : memref<!tpu.dma_semaphore, #tpu.memory_space<semaphore_mem>>
        tpu.enqueue_dma source(%arg8 : memref<16xf32, #tpu.memory_space<vmem>>) target(%arg4 : memref<16xf32, #tpu.memory_space<hbm>>) target_semaphore(%run_scoped3A : memref<!tpu.dma_semaphore, #tpu.memory_space<semaphore_mem>>)
        tpu.wait_dma2 semaphore(%run_scoped3A : memref<!tpu.dma_semaphore, #tpu.memory_space<semaphore_mem>>) src(%arg8 : memref<16xf32, #tpu.memory_space<vmem>>) dst(%arg4 : memref<16xf32, #tpu.memory_space<hbm>>)
        tpu.yield
      }) : () -> ()
    } else {
    }
    return
  }
}

</mosaic_0001>

<sc_bundles>
// kernel: kernel.11.cloned.1.call-start
scs
__scs_entry_jumppad:
0x0: {  	(pc) =	sbr.rel $0x88, $3  }
0x1: {  	(tag) =	ssettag $0x0;
	lr =	simm.s32 $0x1  }
0x2: {  	[smem:$0x3FA0] =	sst lr;
	_ =	strace $0xD0000000  }
0x3: {  	_ = 	snop  }
0x4: {  	_ = 	snop  }
0x5: {  	_ = 	snop  }
0x6: {  	_ = 	snop  }
0x7: {  	_ = 	snop  }
__scs_overlays_trampoline_lowered:
0x8: {  	[smem:$0x3FAF] =	sst s0  }
0x9: {  	[smem:$0x3FB0] =	sst s1  }
0xa: {  	[smem:$0x3FB1] =	sst s2  }
0xb: {  	[smem:$0x3FB2] =	sst s3  }
0xc: {  	[smem:$0x3FB3] =	sst s4  }
0xd: {  	[smem:$0x3FB4] =	sst s5  }
0xe: {  	[smem:$0x3FB5] =	sst s6  }
0xf: {  	[smem:$0x3FB6] =	sst s7  }
0x10: {  	[smem:$0x3FB7] =	sst s8  }
0x11: {  	[smem:$0x3FB8] =	sst s9;
	s0 =	simm.s32 @!p0 $0x0  }
0x12: {  	s1 =	sld [smem:$0x3F9E];
	s0 =	simm.s32 @p0 $0x1  }
0x13: {  	[smem:$0x3FB9] =	sst s0;
	s0 =	simm.s32 @!p1 $0x0  }
0x14: {  	s2 =	sld [smem:$0x3F9D];
	s0 =	simm.s32 @p1 $0x1  }
0x15: {  	[smem:$0x3FBA] =	sst s0;
	s0 =	simm.s32 @!p2 $0x0  }
0x16: {  	s3 =	sld [smem:$0x3FDB];
	s0 =	simm.s32 @p2 $0x1  }
0x17: {  	s4 =	simm.s32 $0x1BF5;
	[smem:$0x3FBC] =	sst s0  }
0x18: {  	s0 =	sld [smem:$0x3F9F];
	_ =	swait.ge [sflag:s4], $0x0  }
0x19: {  	s7 =	sld [smem:$0x3FA0]  }
0x1a: {  	s8 =	sadd.s32 $0xFFFFE003, lr  }
0x1b: {  	s9 =	sadd.s32 $0xFFFFFEF7, lr;
	s5 =	simm.s32 $0xFFFFFFFF;
	p2 =	slt.u32 s8, $0xFFFFF086  }
0x1c: {  	p1 =	slt.u32 s9, $0xF7A;
	s5 =	simm.s32 @!p2 $0x0  }
0x1d: {  	s5 =	simm.s32 @p1 $0x1;
	p0 =	seq.s32 s7, s2  }
0x1e: {  	s7 =	smul.u32 @!p0 $0xF7A, s2;
	p2 =	seq.s32 @!p0 s5, $0x0  }
0x1f: {  	s9 =	smul.u32 $0xF7A, s1;
	s8 =	simm.s32 @!p0 $0x1BF5;
	p2 =	por !p2, p0  }
0x20: {  	[sflag:s8] =	ssyncset.s32 @!p0 $0xFFFFF086;
	s6 =	sadd.s32 @!p0 s3, s7;
	s7 =	simm.s32 @!p0 $0x108  }
0x21: {  	s3 =	sadd.s32 s3, s9;
	s6 =	sadd.s32 @!p0 $0x88, s6;
	s7 =	simm.s32 @p2 $0x1082  }
0x22: {  	[simem:s7], [sflag:s8] =	dma.local @!p0 [hbm:s6], $0xF7A  }
0x23: {  	s9 =	sor.u32 $0xD0000000, s2;
	s6 =	simm.s32 $0x108;
	_ =	swait.ge @!p0 [sflag:s8], $0x0  }
0x24: {  	s3 =	sadd.s32 $0x88, s3;
	s6 =	simm.s32 @!p1 $0x1082;
	[sflag:s4] =	ssyncset.s32 $0xFFFFF086  }
0x25: {  	[simem:s6], [sflag:s4] =	dma.local [hbm:s3], $0xF7A  }
0x26: {  	[smem:$0x3FA0] =	sst s1;
	(tag) =	ssettag s2;
	_ =	strace s9  }
0x27: {  	s1 =	sld [smem:$0x3FB0]  }
0x28: {  	s2 =	sld [smem:$0x3FB1]  }
0x29: {  	s4 =	sld [smem:$0x3FB3]  }
0x2a: {  	p0 =	seq.s32 s5, $0x0;
	s5 =	sld [smem:$0x3FB4]  }
0x2b: {  	s6 =	sld [smem:$0x3FB5]  }
0x2c: {  	s7 =	sld [smem:$0x3FB6]  }
0x2d: {  	s3 =	simm.s32 $0x108;
	s8 =	sld [smem:$0x3FB7]  }
0x2e: {  	s3 =	simm.s32 @!p0 $0x1082;
	s9 =	sld [smem:$0x3FB8]  }
0x2f: {  	lr =	sadd.s32 s0, s3;
	s0 =	sld [smem:$0x3FAF]  }
0x30: {  	s3 =	sld [smem:$0x3FB2]  }
0x31: {  	[smem:$0x3FBB] =	sst s10  }
0x32: {  	s10 =	sld [smem:$0x3FB9];
	_ =	sdelay $0x3  }
0x33: {  	p0 =	seq.s32 s10, $0x1;
	s10 =	sld [smem:$0x3FBB];
	_ =	sdelay $0x3  }
0x34: {  	[smem:$0x3FBB] =	sst s10  }
0x35: {  	s10 =	sld [smem:$0x3FBA];
	_ =	sdelay $0x3  }
0x36: {  	p1 =	seq.s32 s10, $0x1;
	s10 =	sld [smem:$0x3FBB];
	_ =	sdelay $0x3  }
0x37: {  	[smem:$0x3FBB] =	sst s10  }
0x38: {  	s10 =	sld [smem:$0x3FBC]  }
0x39: {  	_ = 	snop;
	(pc) =	sbr.ind lr, $3  }
0x3a: {  	_ = 	snop  }
0x3b: {  	_ = 	snop  }
0x3c: {  	p2 =	seq.s32 s10, $0x1;
	s10 =	sld [smem:$0x3FBB]  }
0x3d: {  	_ =	shalt  }
0x3e: {  	_ =	shalt  }
0x3f: {  	_ =	shalt  }
0x40: {  	_ =	shalt  }
0x41: {  	_ =	shalt  }
0x42: {  	_ =	shalt  }
0x43: {  	_ =	shalt  }
0x44: {  	_ =	shalt  }
0x45: {  	_ =	shalt  }
0x46: {  	_ =	shalt  }
0x47: {  	_ =	shalt  }
0x48: {  	_ =	shalt  }
0x49: {  	_ =	shalt  }
0x4a: {  	_ =	shalt  }
0x4b: {  	_ =	shalt  }
0x4c: {  	_ =	shalt  }
0x4d: {  	_ =	shalt  }
0x4e: {  	_ =	shalt  }
0x4f: {  	_ =	shalt  }
0x50: {  	_ =	shalt  }
0x51: {  	_ =	shalt  }
0x52: {  	_ =	shalt  }
0x53: {  	_ =	shalt  }
0x54: {  	_ =	shalt  }
0x55: {  	_ =	shalt  }
0x56: {  	_ =	shalt  }
0x57: {  	_ =	shalt  }
0x58: {  	_ =	shalt  }
0x59: {  	_ =	shalt  }
0x5a: {  	_ =	shalt  }
0x5b: {  	_ =	shalt  }
0x5c: {  	_ =	shalt  }
0x5d: {  	_ =	shalt  }
0x5e: {  	_ =	shalt  }
0x5f: {  	_ =	shalt  }
0x60: {  	_ =	shalt  }
0x61: {  	_ =	shalt  }
0x62: {  	_ =	shalt  }
0x63: {  	_ =	shalt  }
0x64: {  	_ =	shalt  }
0x65: {  	_ =	shalt  }
0x66: {  	_ =	shalt  }
0x67: {  	_ =	shalt  }
0x68: {  	_ =	shalt  }
0x69: {  	_ =	shalt  }
0x6a: {  	_ =	shalt  }
0x6b: {  	_ =	shalt  }
0x6c: {  	_ =	shalt  }
0x6d: {  	_ =	shalt  }
0x6e: {  	_ =	shalt  }
0x6f: {  	_ =	shalt  }
0x70: {  	_ =	shalt  }
0x71: {  	_ =	shalt  }
0x72: {  	_ =	shalt  }
0x73: {  	_ =	shalt  }
0x74: {  	_ =	shalt  }
0x75: {  	_ =	shalt  }
0x76: {  	_ =	shalt  }
0x77: {  	_ =	shalt  }
0x78: {  	_ =	shalt  }
0x79: {  	_ =	shalt  }
0x7a: {  	_ =	shalt  }
0x7b: {  	_ =	shalt  }
0x7c: {  	_ =	shalt  }
0x7d: {  	_ =	shalt  }
0x7e: {  	_ =	shalt  }
0x7f: {  	_ =	shalt  }
0x80: {  	_ =	shalt  }
0x81: {  	_ =	shalt  }
0x82: {  	_ =	shalt  }
0x83: {  	_ =	shalt  }
0x84: {  	_ =	shalt  }
0x85: {  	_ =	shalt  }
0x86: {  	_ =	shalt  }
0x87: {  	_ =	shalt  }
.Lfunc_end0:
.L_simem_size_0:
called_computation.2_lowered:
.L_overlay_start_0:
0x88: {  	s2 =	sld [smem:$0x3FD9]  }
0x89: {  	s3 =	sld [smem:$0x3FFE];
	_ =	sdelay $0x1  }
0x8a: {  	s1 =	srdreg.scid  }
0x8b: {  	s0 =	sand.u32 $0x1, s1  }
0x8c: {  	s16 =	sshll.u32 s0, $0xA;
	s2 =	sadd.s32 s3, s2  }
0x8d: {  	s2 =	sadd.s32 s2, s16  }
0x8e: {  	[smem:$0x3FC7] =	sst s2  }
0x8f: {  	_ = 	snop  }
0x90: {  	(tm) =	ssettm $0x1  }
0x91: {  	s17 =	sld [smem:$0x3FFB];
	_ =	sdelay $0x3  }
0x92: {  	_ =	strace s17  }
0x93: {  	s2 =	sld [smem:$0x3FFC];
	_ =	sdelay $0x3  }
0x94: {  	_ =	strace s2  }
0x95: {  	s2 =	sld [smem:$0x3FFD];
	_ =	sdelay $0x3  }
0x96: {  	_ =	strace s2  }
0x97: {  	_ =	strace $0x8FFFFFFF  }
0x98: {  	s18 =	sld [smem:$0x3FDB];
	_ =	sdelay $0x1  }
0x99: {  	s19 =	simm.s32 $_scs_section_size  }
0x9a: {  	s4 =	simm.s32 $_size__tile_overlayer_lowered;
	s5 =	simm.s32 $_tile_overlayer_lowered  }
0x9b: {  	s22 =	simm.s32 $0x1BFF;
	s21 =	sshll.u32 s5, $0x1;
	s2 =	sadd.s32 s19, s18  }
0x9c: {  	s6 =	simm.s32 $0x0;
	s20 =	sshll.u32 s4, $0x1;
	s4 =	sadd.s32 s21, s2  }
0x9d: {  	[timem:s6], [sflag:s22] =	dma.local [hbm:s4], s20  }
0x9e: {  	_ =	swait.ge [sflag:s22], s20  }
0x9f: {  	s3 =	ssub.s32 $0x0, s20;
	[sflag:s22] =	ssyncset.done $0x0  }
0xa0: {  	[sflag:s22] =	ssyncadd.s32 s3;
	_ =	sdelay $0x1  }
0xa1: {  	s23 =	simm.s32 $0x1B8B  }
0xa2: {  	_ =	swait.ge [sflag:s23], $0x1  }
0xa3: {  	[sflag:s23] =	ssyncset.done $0x0  }
0xa4: {  	s25 =	simm.s32 $0x1B8E;
	s24 =	sld [smem:$0x3FFE];
	[sflag:s23] =	ssyncadd.s32 $0xFFFFFFFF  }
0xa5: {  	s26 =	simm.s32 $execute0_lowered;
	[smem:$0x3FD2] =	sst s25  }
0xa6: {  	s4 =	sshll.u32 s26, $0x1;
	_ =	strace $0x8000004C;
	[dreg:$0x1] =	wrdreg $0xFFFFFFFF  }
0xa7: {  	s28 =	simm.s32 $_size_execute0_lowered;
	s2 =	sadd.s32 s2, s4;
	[dreg:$0x0] =	wrdreg $0x0  }
0xa8: {  	s4 =	sshll.u32 s28, $0x1;
	[dreg:$0x2] =	wrdreg s2  }
0xa9: {  	[dreg:$0x3] =	wrdreg s4  }
0xaa: {  	[dreg:$0x4] =	wrdreg $0xC0  }
0xab: {  	_ =	task [dreg:s6], $0x5FFFF  }
0xac: {  	[dreg:$0x1] =	wrdreg $0xFFFFFFFF  }
0xad: {  	[dreg:$0x0] =	wrdreg $0x60  }
0xae: {  	[dreg:$0x2] =	wrdreg s24  }
0xaf: {  	[dreg:$0x3] =	wrdreg $0x9  }
0xb0: {  	_ =	task.clear_ibuf [dreg:s6], $0x4FFFF;
	_ =	strace $0x9000004C  }
0xb1: {  	s29 =	simm.s32 $0x9;
	_ =	strace $0x8000004E  }
0xb2: {  	_ =	swait.ge [sflag:s29], $0x1  }
0xb3: {  	[sflag:s29] =	ssyncadd.s32 $0xFFFFFFFF  }
0xb4: {  	_ =	strace $0x9000004E  }
0xb5: {  	_ =	sfence  }
0xb6: {  	s30 =	sld [smem:$0x0];
	_ =	sdelay $0x2  }
0xb7: {  	s31 =	sshll.u32 s1, $0xD;
	s1 =	sshrl.u32 s1, $0x2  }
0xb8: {  	s3 =	sand.u32 $0x4000, s31;
	s1 =	sadd.s32 s1, s30  }
0xb9: {  	s0 =	sor.u32 s3, s0;
	s1 =	sshll.u32 s1, $0x11  }
0xba: {  	s0 =	sor.u32 s1, s0  }
0xbb: {  	s0 =	sadd.s32 $0x8F2B, s0  }
0xbc: {  	[sflag:s0] =	ssyncadd.remote.s32 $0x1  }
0xbd: {  	_ =	sfence.sel $0xFFFF  }
0xbe: {  	[dreg:$0x0] =	wrdreg $0xFFFFFFFF;
	(pc) =	sbr.abs _section_cstart, $3  }
0xbf: {  	[dreg:$0x1] =	wrdreg $0xFFFFFFFF  }
0xc0: {  	_ =	task.clear_ibuf [dreg:s6], $0x2FFFF;
	_ =	strace $0x9FFFFFFF  }
0xc1: {  	(tm) =	ssettm $0x7FFFFFFF  }
tec
execute0_lowered:
.L_overlay_start_1:
0x0: {  	(tag) =	ssettag $0x1  }
0x1: {  	s0 =	srdreg.scid  }
0x2: {  	s2 =	sand.u32 $0x1, s0;
	s0 =	stileid.u32  }
0x3: {  	s3 =	sshll.u32 s0, $0x1;
	s5 =	ssub.s32 $0x0, s2  }
0x4: {  	p0 =	sne.s32 s3, s5  }
.Ltmp0:
0x5: {  	_ = 	snop;
	(pc) =	sbr.rel @p0 .LBB2_5-.Ltmp0, $3  }
0x6: {  	_ =	sdelay $0x1  }
0x7: {  	s4 =	rddreg [dreg:$0x0]  }
0x8: {  	s1 =	rddreg [dreg:$0x1];
	_ =	strace $0x8000004D  }
0x9: {  	s5 =	ssub.s32 $0x2, s2;
	s2 =	sadd.s32 $0xE00, s4;
	s3 =	sadd.s32 $0x600, s4  }
0xa: {  	s4 =	sadd.s32 $0x800, s4;
	s7 =	simm.s32 $0x1;
	s6 =	sshrl.u32 s5, $0x1  }
0xb: {  	s8 =	simm.s32 $0x2000;
	s9 =	simm.s32 $0x2280;
	s5 =	ssub.s32 s5, s6  }
0xc: {  	vm0 =	vcmask $0x3F08;
	vm1 =	vmmov $0x1;
	s10 =	simm.s32 $0x0;
	s6 =	simm.s32 $0x0;
	s5 =	smax.u32 s5, $0x1  }
.LBB2_2:
0xd: {  	[tilespmem:s6], [sflag:$0x1] =	stream.linear.gather [hbm4b:s2+s6], $0x2000, $0x38;
	[tilespmem:$0x2300] =	vst v63  }
0xe: {  	_ =	swait.ge [sflag:s7], $0x2000  }
0xf: {  	[sflag:s7] =	ssyncset.done $0x0  }
0x10: {  	[sflag:s7] =	ssyncadd.s32 $0xFFFFE000  }
0x11: {  	[tilespmem:s8], [sflag:$0x1] =	stream.linear.gather [hbm4b:s3+s6], $0x180, $0x38;
	[tilespmem:$0x2300] =	vst v63  }
0x12: {  	_ =	swait.ge [sflag:s7], $0x180  }
0x13: {  	[sflag:s7] =	ssyncset.done $0x0  }
0x14: {  	s11 =	sand.u32 $0xF0, s6;
	[sflag:s7] =	ssyncadd.s32 $0xFFFFFE80  }
0x15: {  	v0 =	vld [tilespmem:s11+$0x100]  }
0x16: {  	v1 =	vld [tilespmem:s6+$0x0];
	_ =	sdelay $0x1  }
0x17: {  	v2 =	vld [tilespmem:s11+$0x200];
	_ =	sdelay $0x1  }
0x18: {  	v3 =	vld [tilespmem:s11+$0x300]  }
0x19: {  	v0 =	vadd.f32 v0, v1  }
0x1a: {  	v61 =	vld [tilespmem:s11+$0x400]  }
0x1b: {  	v0 =	vadd.f32 v2, v0  }
0x1c: {  	v62 =	vld [tilespmem:s11+$0x500]  }
0x1d: {  	v0 =	vadd.f32 v3, v0  }
0x1e: {  	v63 =	vld [tilespmem:s11+$0x600]  }
0x1f: {  	v0 =	vadd.f32 v61, v0  }
0x20: {  	v6 =	vld [tilespmem:s11+$0x700]  }
0x21: {  	v0 =	vadd.f32 v62, v0  }
0x22: {  	v7 =	vld [tilespmem:s11+$0x800]  }
0x23: {  	v0 =	vadd.f32 v63, v0  }
0x24: {  	v8 =	vld [tilespmem:s11+$0x900]  }
0x25: {  	v0 =	vadd.f32 v6, v0  }
0x26: {  	v9 =	vld [tilespmem:s11+$0xA00]  }
0x27: {  	v0 =	vadd.f32 v7, v0  }
0x28: {  	v10 =	vld [tilespmem:s11+$0xB00]  }
0x29: {  	v0 =	vadd.f32 v8, v0  }
0x2a: {  	v11 =	vld [tilespmem:s11+$0xC00]  }
0x2b: {  	v0 =	vadd.f32 v9, v0  }
0x2c: {  	v12 =	vld [tilespmem:s11+$0xD00]  }
0x2d: {  	v0 =	vadd.f32 v10, v0  }
0x2e: {  	v13 =	vld [tilespmem:s11+$0xE00]  }
0x2f: {  	v0 =	vadd.f32 v11, v0  }
0x30: {  	v14 =	vld [tilespmem:s11+$0xF00]  }
0x31: {  	v0 =	vadd.f32 v12, v0  }
0x32: {  	v15 =	vld [tilespmem:s11+$0x1000]  }
0x33: {  	v0 =	vadd.f32 v13, v0  }
0x34: {  	v16 =	vld [tilespmem:s11+$0x1100]  }
0x35: {  	v0 =	vadd.f32 v14, v0  }
0x36: {  	v17 =	vld [tilespmem:s11+$0x1200]  }
0x37: {  	v0 =	vadd.f32 v15, v0  }
0x38: {  	v18 =	vld [tilespmem:s11+$0x1300]  }
0x39: {  	v0 =	vadd.f32 v16, v0  }
0x3a: {  	v19 =	vld [tilespmem:s11+$0x1400]  }
0x3b: {  	v0 =	vadd.f32 v17, v0  }
0x3c: {  	v20 =	vld [tilespmem:s11+$0x1500]  }
0x3d: {  	v0 =	vadd.f32 v18, v0  }
0x3e: {  	v21 =	vld [tilespmem:s11+$0x1600]  }
0x3f: {  	v0 =	vadd.f32 v19, v0  }
0x40: {  	v22 =	vld [tilespmem:s11+$0x1700]  }
0x41: {  	v0 =	vadd.f32 v20, v0  }
0x42: {  	v23 =	vld [tilespmem:s11+$0x1800]  }
0x43: {  	v0 =	vadd.f32 v21, v0  }
0x44: {  	v24 =	vld [tilespmem:s11+$0x1900]  }
0x45: {  	v0 =	vadd.f32 v22, v0  }
0x46: {  	v25 =	vld [tilespmem:s11+$0x1A00]  }
0x47: {  	v0 =	vadd.f32 v23, v0  }
0x48: {  	v26 =	vld [tilespmem:s11+$0x1B00]  }
0x49: {  	v0 =	vadd.f32 v24, v0  }
0x4a: {  	v27 =	vld [tilespmem:s11+$0x1C00]  }
0x4b: {  	v0 =	vadd.f32 v25, v0  }
0x4c: {  	v28 =	vld [tilespmem:s11+$0x1D00]  }
0x4d: {  	v0 =	vadd.f32 v26, v0  }
0x4e: {  	v29 =	vld [tilespmem:s11+$0x1E00]  }
0x4f: {  	v0 =	vadd.f32 v27, v0  }
0x50: {  	v30 =	vld [tilespmem:s11+$0x1F00]  }
0x51: {  	v0 =	vadd.f32 v28, v0;
	_ =	sdelay $0x1  }
0x52: {  	v0 =	vadd.f32 v29, v0;
	_ =	sdelay $0x1  }
0x53: {  	v0 =	vadd.f32 v30, v0;
	_ =	sdelay $0x1  }
0x54: {  	(xrf2) =	vadd.scan.msk.f32 $0xffff, v0;
	_ =	sdelay $0x9  }
0x55: {  	s31 =	simm.f32 $0.0e+00;
	v0, _, _ =	vpop (xrf2)  }
0x56: {  	v0 =	vadd.f32 s31, v0  }
0x57: {  	s12 =	simm.s32 $0x2180;
	s11 =	simm.s32 $0x10  }
0x58: {  	s13 =	sand.u32 $0xF0, s11;
	[tilespmem:s12+$0x0] =	vst v0  }
0x59: {  	v31 =	vld [tilespmem:s13+$0x100]  }
0x5a: {  	v32 =	vld [tilespmem:s11+$0x0];
	_ =	sdelay $0x1  }
0x5b: {  	v33 =	vld [tilespmem:s13+$0x200];
	_ =	sdelay $0x1  }
0x5c: {  	v4 =	vld [tilespmem:s13+$0x300]  }
0x5d: {  	v1 =	vadd.f32 v31, v32  }
0x5e: {  	v34 =	vld [tilespmem:s13+$0x400]  }
0x5f: {  	v1 =	vadd.f32 v33, v1  }
0x60: {  	v35 =	vld [tilespmem:s13+$0x500]  }
0x61: {  	v1 =	vadd.f32 v4, v1  }
0x62: {  	v36 =	vld [tilespmem:s13+$0x600]  }
0x63: {  	v1 =	vadd.f32 v34, v1  }
0x64: {  	v37 =	vld [tilespmem:s13+$0x700]  }
0x65: {  	v1 =	vadd.f32 v35, v1  }
0x66: {  	v38 =	vld [tilespmem:s13+$0x800]  }
0x67: {  	v1 =	vadd.f32 v36, v1  }
0x68: {  	v39 =	vld [tilespmem:s13+$0x900]  }
0x69: {  	v1 =	vadd.f32 v37, v1  }
0x6a: {  	v40 =	vld [tilespmem:s13+$0xA00]  }
0x6b: {  	v1 =	vadd.f32 v38, v1  }
0x6c: {  	v41 =	vld [tilespmem:s13+$0xB00]  }
0x6d: {  	v1 =	vadd.f32 v39, v1  }
0x6e: {  	v42 =	vld [tilespmem:s13+$0xC00]  }
0x6f: {  	v1 =	vadd.f32 v40, v1  }
0x70: {  	v43 =	vld [tilespmem:s13+$0xD00]  }
0x71: {  	v1 =	vadd.f32 v41, v1  }
0x72: {  	v44 =	vld [tilespmem:s13+$0xE00]  }
0x73: {  	v1 =	vadd.f32 v42, v1  }
0x74: {  	v45 =	vld [tilespmem:s13+$0xF00]  }
0x75: {  	v1 =	vadd.f32 v43, v1  }
0x76: {  	v46 =	vld [tilespmem:s13+$0x1000]  }
0x77: {  	v1 =	vadd.f32 v44, v1  }
0x78: {  	v47 =	vld [tilespmem:s13+$0x1100]  }
0x79: {  	v1 =	vadd.f32 v45, v1  }
0x7a: {  	v48 =	vld [tilespmem:s13+$0x1200]  }
0x7b: {  	v1 =	vadd.f32 v46, v1  }
0x7c: {  	v49 =	vld [tilespmem:s13+$0x1300]  }
0x7d: {  	v1 =	vadd.f32 v47, v1  }
0x7e: {  	v50 =	vld [tilespmem:s13+$0x1400]  }
0x7f: {  	v1 =	vadd.f32 v48, v1  }
0x80: {  	v51 =	vld [tilespmem:s13+$0x1500]  }
0x81: {  	v1 =	vadd.f32 v49, v1  }
0x82: {  	v52 =	vld [tilespmem:s13+$0x1600]  }
0x83: {  	v1 =	vadd.f32 v50, v1  }
0x84: {  	v53 =	vld [tilespmem:s13+$0x1700]  }
0x85: {  	v54 =	vadd.f32 v51, v1  }
0x86: {  	v55 =	vld [tilespmem:s13+$0x1800]  }
0x87: {  	(xrf0) =	vmax.scan.msk.f32 $0xffff, v0;
	v0 =	vadd.f32 v52, v54  }
0x88: {  	v56 =	vld [tilespmem:s13+$0x1900]  }
0x89: {  	v0 =	vadd.f32 v53, v0  }
0x8a: {  	v57 =	vld [tilespmem:s13+$0x1A00]  }
0x8b: {  	v0 =	vadd.f32 v55, v0  }
0x8c: {  	v59 =	vld [tilespmem:s13+$0x1B00]  }
0x8d: {  	v0 =	vadd.f32 v56, v0  }
0x8e: {  	v60 =	vld [tilespmem:s13+$0x1C00]  }
0x8f: {  	v0 =	vadd.f32 v57, v0  }
0x90: {  	v61 =	vld [tilespmem:s13+$0x1D00]  }
0x91: {  	v0 =	vadd.f32 v59, v0  }
0x92: {  	v62 =	vld [tilespmem:s13+$0x1E00];
	v58, _, _ =	vpop (xrf0)  }
0x93: {  	(v2sf) =	vpush v58, $0xF;
	v0 =	vadd.f32 v60, v0  }
0x94: {  	v63 =	vld [tilespmem:s13+$0x1F00]  }
0x95: {  	v0 =	vadd.f32 v61, v0;
	_ =	sdelay $0x1  }
0x96: {  	v0 =	vadd.f32 v62, v0;
	_ =	sdelay $0x1  }
0x97: {  	v0 =	vadd.f32 v63, v0;
	_ =	sdelay $0x1  }
0x98: {  	(xrf2) =	vadd.scan.msk.f32 $0xffff, v0;
	_ =	sdelay $0x6  }
0x99: {  	s14 =	simm.s32 $0x30;
	s13 =	simm.s32 $0x20;
	s16 =	spop (v2sf)  }
.LBB2_3:
0x9a: {  	p0 =	sne.s32 s14, $0xF0;
	_ =	sdelay $0x1  }
0x9b: {  	v0, _, _ =	vpop (xrf2)  }
0x9c: {  	v0 =	vadd.f32 s16, v0  }
0x9d: {  	s12 =	sadd.s32 $0x10, s12  }
0x9e: {  	s15 =	sand.u32 $0xF0, s13;
	s13 =	smov.u32 s14;
	[tilespmem:s12+$0x0] =	vst v0;
	(xrf0) =	vmax.scan.msk.f32 $0xffff, v0  }
0x9f: {  	s11 =	sadd.s32 $0x10, s11;
	v0 =	vld [tilespmem:s15+$0x100]  }
0xa0: {  	v1 =	vld [tilespmem:s11+$0x0];
	_ =	sdelay $0x1  }
0xa1: {  	v2 =	vld [tilespmem:s15+$0x200];
	_ =	sdelay $0x1  }
0xa2: {  	v3 =	vld [tilespmem:s15+$0x300];
	v4, _, _ =	vpop (xrf0)  }
0xa3: {  	v0 =	vadd.f32 v0, v1;
	(v2sf) =	vpush v4, $0xF  }
0xa4: {  	v1 =	vld [tilespmem:s15+$0x400]  }
0xa5: {  	v0 =	vadd.f32 v2, v0  }
0xa6: {  	v2 =	vld [tilespmem:s15+$0x500]  }
0xa7: {  	v0 =	vadd.f32 v3, v0  }
0xa8: {  	v3 =	vld [tilespmem:s15+$0x600]  }
0xa9: {  	v0 =	vadd.f32 v1, v0  }
0xaa: {  	v1 =	vld [tilespmem:s15+$0x700]  }
0xab: {  	v0 =	vadd.f32 v2, v0  }
0xac: {  	v2 =	vld [tilespmem:s15+$0x800]  }
0xad: {  	v0 =	vadd.f32 v3, v0  }
0xae: {  	v3 =	vld [tilespmem:s15+$0x900]  }
0xaf: {  	v0 =	vadd.f32 v1, v0  }
0xb0: {  	v1 =	vld [tilespmem:s15+$0xA00]  }
0xb1: {  	v0 =	vadd.f32 v2, v0  }
0xb2: {  	v2 =	vld [tilespmem:s15+$0xB00];
	s16 =	spop (v2sf)  }
0xb3: {  	v0 =	vadd.f32 v3, v0  }
0xb4: {  	v3 =	vld [tilespmem:s15+$0xC00]  }
0xb5: {  	v0 =	vadd.f32 v1, v0  }
0xb6: {  	v1 =	vld [tilespmem:s15+$0xD00]  }
0xb7: {  	v0 =	vadd.f32 v2, v0  }
0xb8: {  	v2 =	vld [tilespmem:s15+$0xE00]  }
0xb9: {  	v0 =	vadd.f32 v3, v0  }
0xba: {  	v3 =	vld [tilespmem:s15+$0xF00]  }
0xbb: {  	v0 =	vadd.f32 v1, v0  }
0xbc: {  	v1 =	vld [tilespmem:s15+$0x1000]  }
0xbd: {  	v0 =	vadd.f32 v2, v0  }
0xbe: {  	v2 =	vld [tilespmem:s15+$0x1100]  }
0xbf: {  	v0 =	vadd.f32 v3, v0  }
0xc0: {  	v3 =	vld [tilespmem:s15+$0x1200]  }
0xc1: {  	v0 =	vadd.f32 v1, v0  }
0xc2: {  	v1 =	vld [tilespmem:s15+$0x1300]  }
0xc3: {  	v0 =	vadd.f32 v2, v0  }
0xc4: {  	v2 =	vld [tilespmem:s15+$0x1400]  }
0xc5: {  	v0 =	vadd.f32 v3, v0  }
0xc6: {  	v3 =	vld [tilespmem:s15+$0x1500]  }
0xc7: {  	v0 =	vadd.f32 v1, v0  }
0xc8: {  	v1 =	vld [tilespmem:s15+$0x1600]  }
0xc9: {  	v0 =	vadd.f32 v2, v0  }
0xca: {  	v2 =	vld [tilespmem:s15+$0x1700]  }
0xcb: {  	v0 =	vadd.f32 v3, v0  }
0xcc: {  	v3 =	vld [tilespmem:s15+$0x1800]  }
0xcd: {  	v0 =	vadd.f32 v1, v0  }
0xce: {  	v1 =	vld [tilespmem:s15+$0x1900]  }
0xcf: {  	v0 =	vadd.f32 v2, v0  }
0xd0: {  	v2 =	vld [tilespmem:s15+$0x1A00]  }
0xd1: {  	v0 =	vadd.f32 v3, v0  }
0xd2: {  	v3 =	vld [tilespmem:s15+$0x1B00]  }
0xd3: {  	v0 =	vadd.f32 v1, v0  }
0xd4: {  	v1 =	vld [tilespmem:s15+$0x1C00]  }
0xd5: {  	v0 =	vadd.f32 v2, v0  }
0xd6: {  	v2 =	vld [tilespmem:s15+$0x1D00]  }
0xd7: {  	v0 =	vadd.f32 v3, v0  }
0xd8: {  	v3 =	vld [tilespmem:s15+$0x1E00]  }
0xd9: {  	v0 =	vadd.f32 v1, v0  }
0xda: {  	v1 =	vld [tilespmem:s15+$0x1F00]  }
0xdb: {  	v0 =	vadd.f32 v2, v0;
	_ =	sdelay $0x1  }
0xdc: {  	v0 =	vadd.f32 v3, v0;
	_ =	sdelay $0x1  }
0xdd: {  	v0 =	vadd.f32 v1, v0;
	_ =	sdelay $0x1  }
0xde: {  	(xrf2) =	vadd.scan.msk.f32 $0xffff, v0;
	_ =	sdelay $0x2  }
.Ltmp1:
0xdf: {  	(pc) =	sbr.rel @p0 .LBB2_3-.Ltmp1, $2  }
0xe0: {  	_ =	sdelay $0x2  }
0xe1: {  	s14 =	sadd.s32 $0x10, s14  }
0xe2: {  	_ =	sdelay $0x1  }
0xe3: {  	v0, _, _ =	vpop (xrf2)  }
0xe4: {  	v0 =	vadd.f32 s16, v0  }
0xe5: {  	s12 =	sadd.s32 $0x10, s12  }
0xe6: {  	s13 =	sand.u32 $0xF0, s13;
	[tilespmem:s12+$0x0] =	vst v0  }
0xe7: {  	s11 =	sadd.s32 $0x10, s11;
	v1 =	vld [tilespmem:s13+$0x100]  }
0xe8: {  	v2 =	vld [tilespmem:s11+$0x0];
	_ =	sdelay $0x1  }
0xe9: {  	v3 =	vld [tilespmem:s13+$0x200];
	_ =	sdelay $0x1  }
0xea: {  	v4 =	vld [tilespmem:s13+$0x300]  }
0xeb: {  	v1 =	vadd.f32 v1, v2  }
0xec: {  	v45 =	vld [tilespmem:s13+$0x400]  }
0xed: {  	v1 =	vadd.f32 v3, v1  }
0xee: {  	v46 =	vld [tilespmem:s13+$0x500]  }
0xef: {  	v1 =	vadd.f32 v4, v1  }
0xf0: {  	v47 =	vld [tilespmem:s13+$0x600]  }
0xf1: {  	v1 =	vadd.f32 v45, v1  }
0xf2: {  	v48 =	vld [tilespmem:s13+$0x700]  }
0xf3: {  	v1 =	vadd.f32 v46, v1  }
0xf4: {  	v49 =	vld [tilespmem:s13+$0x800]  }
0xf5: {  	v1 =	vadd.f32 v47, v1  }
0xf6: {  	v50 =	vld [tilespmem:s13+$0x900]  }
0xf7: {  	v1 =	vadd.f32 v48, v1  }
0xf8: {  	v51 =	vld [tilespmem:s13+$0xA00]  }
0xf9: {  	v1 =	vadd.f32 v49, v1  }
0xfa: {  	v52 =	vld [tilespmem:s13+$0xB00]  }
0xfb: {  	v1 =	vadd.f32 v50, v1  }
0xfc: {  	v53 =	vld [tilespmem:s13+$0xC00]  }
0xfd: {  	v1 =	vadd.f32 v51, v1  }
0xfe: {  	v54 =	vld [tilespmem:s13+$0xD00]  }
0xff: {  	v1 =	vadd.f32 v52, v1  }
0x100: {  	v55 =	vld [tilespmem:s13+$0xE00]  }
0x101: {  	v1 =	vadd.f32 v53, v1  }
0x102: {  	v56 =	vld [tilespmem:s13+$0xF00]  }
0x103: {  	v1 =	vadd.f32 v54, v1  }
0x104: {  	v57 =	vld [tilespmem:s13+$0x1000]  }
0x105: {  	v1 =	vadd.f32 v55, v1  }
0x106: {  	v58 =	vld [tilespmem:s13+$0x1100]  }
0x107: {  	v1 =	vadd.f32 v56, v1  }
0x108: {  	v59 =	vld [tilespmem:s13+$0x1200]  }
0x109: {  	v1 =	vadd.f32 v57, v1  }
0x10a: {  	v60 =	vld [tilespmem:s13+$0x1300]  }
0x10b: {  	v1 =	vadd.f32 v58, v1  }
0x10c: {  	v61 =	vld [tilespmem:s13+$0x1400]  }
0x10d: {  	v1 =	vadd.f32 v59, v1  }
0x10e: {  	v62 =	vld [tilespmem:s13+$0x1500]  }
0x10f: {  	v1 =	vadd.f32 v60, v1  }
0x110: {  	v63 =	vld [tilespmem:s13+$0x1600]  }
0x111: {  	v1 =	vadd.f32 v61, v1  }
0x112: {  	v8 =	vld [tilespmem:s13+$0x1700]  }
0x113: {  	v1 =	vadd.f32 v62, v1  }
0x114: {  	v9 =	vld [tilespmem:s13+$0x1800]  }
0x115: {  	v1 =	vadd.f32 v63, v1  }
0x116: {  	v10 =	vld [tilespmem:s13+$0x1900]  }
0x117: {  	v1 =	vadd.f32 v8, v1  }
0x118: {  	v11 =	vld [tilespmem:s13+$0x1A00]  }
0x119: {  	v1 =	vadd.f32 v9, v1  }
0x11a: {  	v12 =	vld [tilespmem:s13+$0x1B00]  }
0x11b: {  	v1 =	vadd.f32 v10, v1  }
0x11c: {  	v13 =	vld [tilespmem:s13+$0x1C00]  }
0x11d: {  	(xrf0) =	vmax.scan.msk.f32 $0xffff, v0;
	v14 =	vadd.f32 v11, v1  }
0x11e: {  	v15 =	vld [tilespmem:s13+$0x1D00]  }
0x11f: {  	v0 =	vadd.f32 v12, v14  }
0x120: {  	v16 =	vld [tilespmem:s13+$0x1E00]  }
0x121: {  	v0 =	vadd.f32 v13, v0  }
0x122: {  	v17 =	vld [tilespmem:s13+$0x1F00]  }
0x123: {  	v18, _, _ =	vpop (xrf0);
	v0 =	vadd.f32 v15, v0  }
0x124: {  	(v2sf) =	vpush v18, $0xF  }
0x125: {  	v0 =	vadd.f32 v16, v0;
	_ =	sdelay $0x1  }
0x126: {  	v0 =	vadd.f32 v17, v0;
	_ =	sdelay $0x1  }
0x127: {  	(xrf2) =	vadd.scan.msk.f32 $0xffff, v0;
	_ =	sdelay $0x9  }
0x128: {  	s24 =	spop (v2sf);
	v0, _, _ =	vpop (xrf2)  }
0x129: {  	v0 =	vadd.f32 s24, v0;
	_ =	sdelay $0x1  }
0x12a: {  	(xrf0) =	vmax.scan.msk.f32 $0xffff, v0;
	_ =	sdelay $0x5  }
0x12b: {  	v19, _, _ =	vpop (xrf0)  }
0x12c: {  	(v2sf) =	vpush v19, $0xF;
	_ =	sdelay $0xc  }
0x12d: {  	s25 =	sadd.s32 $0x10, s12  }
0x12e: {  	[tilespmem:s25+$0x0] =	vst v0  }
0x12f: {  	v0 =	vld [tilespmem:$0x2180];
	s26 =	spop (v2sf)  }
0x130: {  	v20 =	vld [tilespmem:$0x2190];
	s28 =	smul.f32 $9.999999770e-03, s26  }
0x131: {  	s29 =	smul.f32 $1.990000010e+00, s26  }
0x132: {  	v21 =	vld [tilespmem:$0x21A0];
	s30 =	smul.f32 $5.000000000e-01, s28  }
0x133: {  	v22 =	vld [tilespmem:$0x21B0];
	s31 =	smul.f32 $5.000000000e-01, s29  }
0x134: {  	vm2 =	vle.f32 v0, s30  }
0x135: {  	v24 =	vld [tilespmem:$0x21C0];
	vm3 =	vle.f32 v20, s30;
	v23 =	vmpcnt.ones.xlane vm2;
	vm2 =	vle.f32 v0, s31  }
0x136: {  	v6 =	vmpcnt.ones.xlane vm3;
	v5 =	vmpcnt.ones.xlane vm2;
	vm2 =	vle.f32 v20, s31  }
0x137: {  	v25 =	vld [tilespmem:$0x21D0];
	vm3 =	vle.f32 v21, s31;
	v1 =	vmpcnt.ones.xlane vm2;
	vm2 =	vle.f32 v21, s30  }
0x138: {  	v8 =	vmpcnt.ones.xlane vm3;
	v7 =	vmpcnt.ones.xlane vm2;
	vm2 =	vle.f32 v22, s30  }
0x139: {  	v27 =	vld [tilespmem:$0x21E0];
	v4 =	vadd.s32 v23, v6;
	v26 =	vmpcnt.ones.xlane vm2;
	vm2 =	vle.f32 v22, s31  }
0x13a: {  	v1 =	vadd.s32 v5, v1;
	v28 =	vmpcnt.ones.xlane vm2;
	vm2 =	vle.f32 v24, s30  }
0x13b: {  	v30 =	vld [tilespmem:$0x21F0];
	v4 =	vadd.s32 v4, v7;
	v29 =	vmpcnt.ones.xlane vm2;
	vm2 =	vle.f32 v24, s31  }
0x13c: {  	v1 =	vadd.s32 v1, v8;
	v31 =	vmpcnt.ones.xlane vm2;
	vm2 =	vle.f32 v25, s30  }
0x13d: {  	v33 =	vld [tilespmem:$0x2200];
	v4 =	vadd.s32 v4, v26;
	v32 =	vmpcnt.ones.xlane vm2;
	vm2 =	vle.f32 v25, s31  }
0x13e: {  	v1 =	vadd.s32 v1, v28;
	v34 =	vmpcnt.ones.xlane vm2;
	vm2 =	vle.f32 v27, s30  }
0x13f: {  	v36 =	vld [tilespmem:$0x2210];
	v4 =	vadd.s32 v4, v29;
	v35 =	vmpcnt.ones.xlane vm2;
	vm2 =	vle.f32 v27, s31  }
0x140: {  	v1 =	vadd.s32 v1, v31;
	v37 =	vmpcnt.ones.xlane vm2;
	vm2 =	vle.f32 v30, s30  }
0x141: {  	v39 =	vld [tilespmem:$0x2220];
	v4 =	vadd.s32 v4, v32;
	v38 =	vmpcnt.ones.xlane vm2;
	vm2 =	vle.f32 v30, s31  }
0x142: {  	v1 =	vadd.s32 v1, v34;
	v40 =	vmpcnt.ones.xlane vm2;
	vm2 =	vle.f32 v33, s30  }
0x143: {  	v42 =	vld [tilespmem:$0x2230];
	v4 =	vadd.s32 v4, v35;
	v41 =	vmpcnt.ones.xlane vm2;
	vm2 =	vle.f32 v33, s31  }
0x144: {  	v1 =	vadd.s32 v1, v37;
	v43 =	vmpcnt.ones.xlane vm2;
	vm2 =	vle.f32 v36, s30  }
0x145: {  	v45 =	vld [tilespmem:$0x2240];
	v4 =	vadd.s32 v4, v38;
	v44 =	vmpcnt.ones.xlane vm2;
	vm2 =	vle.f32 v36, s31  }
0x146: {  	v1 =	vadd.s32 v1, v40;
	v46 =	vmpcnt.ones.xlane vm2;
	vm2 =	vle.f32 v39, s30  }
0x147: {  	v48 =	vld [tilespmem:$0x2250];
	v4 =	vadd.s32 v4, v41;
	v47 =	vmpcnt.ones.xlane vm2;
	vm2 =	vle.f32 v39, s31  }
0x148: {  	v1 =	vadd.s32 v1, v43;
	v49 =	vmpcnt.ones.xlane vm2;
	vm2 =	vle.f32 v42, s30  }
0x149: {  	v51 =	vld [tilespmem:$0x2260];
	v4 =	vadd.s32 v4, v44;
	v50 =	vmpcnt.ones.xlane vm2;
	vm2 =	vle.f32 v42, s31  }
0x14a: {  	v1 =	vadd.s32 v1, v46;
	v52 =	vmpcnt.ones.xlane vm2;
	vm2 =	vle.f32 v45, s30  }
0x14b: {  	v54 =	vld [tilespmem:$0x2270];
	v4 =	vadd.s32 v4, v47;
	v53 =	vmpcnt.ones.xlane vm2;
	vm2 =	vle.f32 v45, s31  }
0x14c: {  	v1 =	vadd.s32 v1, v49;
	v55 =	vmpcnt.ones.xlane vm2;
	vm2 =	vle.f32 v48, s30  }
0x14d: {  	v4 =	vadd.s32 v4, v50;
	v56 =	vmpcnt.ones.xlane vm2;
	vm2 =	vle.f32 v48, s31  }
0x14e: {  	v57 =	vadd.s32 v1, v52;
	v58 =	vmpcnt.ones.xlane vm2;
	vm2 =	vle.f32 v51, s30  }
0x14f: {  	v4 =	vadd.s32 v4, v53;
	v59 =	vmpcnt.ones.xlane vm2;
	vm2 =	vle.f32 v51, s31  }
0x150: {  	v0 =	vadd.s32 v57, v55;
	v2 =	vmpcnt.ones.xlane vm2;
	vm2 =	vle.f32 v54, s31  }
0x151: {  	v0 =	vadd.s32 v0, v58;
	v60 =	vmpcnt.ones.xlane vm2;
	vm2 =	vle.f32 v54, s30  }
0x152: {  	v61 =	vadd.s32 v4, v56;
	v0 =	vadd.s32 v0, v2;
	v62 =	vmpcnt.ones.xlane vm2  }
0x153: {  	v3 =	vadd.s32 v61, v59;
	v0 =	vadd.s32 v0, v60  }
0x154: {  	v63 =	vadd.s32 v3, v62;
	_ =	sdelay $0x3  }
0x155: {  	v0 =	vld.idx.msk [tilespmem:v0+s8+$0x0], $0xffff  }
0x156: {  	v1 =	vld.idx.msk [tilespmem:v63+s8+$0x0], $0xffff;
	_ =	sdelay $0x3  }
0x157: {  	s10 =	sadd.s32 $0x1, s10;
	v0 =	vsel vm0, $0x0, v0  }
0x158: {  	p0 =	sne.s32 s10, s5;
	v0 =	vsel vm1, v1, v0  }
.Ltmp2:
0x159: {  	[tilespmem:$0x2280] =	vst v0;
	(pc) =	sbr.rel @p0 .LBB2_2-.Ltmp2, $4  }
0x15a: {  	[hbm4b:s4+s6] =	stream.linear.scatter [tilespmem:s9], [sflag:$0x1], $0x80, $0x38;
	[tilespmem:$0x2300] =	vst v63  }
0x15b: {  	_ =	swait.ge [sflag:s7], $0x80  }
0x15c: {  	[sflag:s7] =	ssyncset.done $0x0  }
0x15d: {  	[sflag:s7] =	ssyncadd.s32 $0xFFFFFF80  }
.LBB2_5:
0x15e: {  	_ =	sfence.sel $0x180000  }
0x15f: {  	[bflag:$0x0] =	sbarrier.arrive $0xFFFF  }
0x160: {  	p0 =	sne.s32 s0, $0x0;
	_ =	strace $0x9000004D  }
0x161: {  	s0 =	sadd.s32 @!p0 $0x100000, s1;
	[bflag:$0x2] =	sbarrier.arrive $0xFFFF  }
0x162: {  	[sflag:s0] =	ssyncadd.tile.s32 @!p0 $0x1;
	_ =	shalt  }
.Lfunc_end2:
_tile_overlayer_lowered:
.L_overlay_start_2:
0x163: {  	(tag) =	ssettag $0x2  }
0x164: {  	s0 =	rddreg [dreg:$0x0];
	s2 =	stileid.u32  }
0x165: {  	s1 =	rddreg [dreg:$0x1];
	p0 =	sne.s32 s2, $0x0  }
0x166: {  	s3 =	rddreg [dreg:$0x2];
	[bflag:$0x3] =	sbarrier.arrive $0xFFFF;
	s2 =	simm.s32 @!p0 $0x1C01  }
0x167: {  	[timem:s3], [sflag:s2] =	dma.local @!p0 [hbm:s0], s1  }
0x168: {  	s0 =	simm.s32 @!p0 $0x1  }
0x169: {  	_ =	swait.ge @!p0 [sflag:s0], s1  }
0x16a: {  	s1 =	ssub.s32 @!p0 $0x0, s1;
	[sflag:s0] =	ssyncset.done @!p0 $0x0  }
0x16b: {  	[sflag:s0] =	ssyncadd.s32 @!p0 s1  }
0x16c: {  	[bflag:$0x3] =	sbarrier.arrive $0xFFFF  }
0x16d: {  	_ =	shalt  }

// kernel: kernel.5.cloned.1.call-start
scs
__scs_entry_jumppad:
0x0: {  	(pc) =	sbr.rel $0x88, $3  }
0x1: {  	(tag) =	ssettag $0x0;
	lr =	simm.s32 $0x1  }
0x2: {  	[smem:$0x3FA0] =	sst lr;
	_ =	strace $0xD0000000  }
0x3: {  	_ = 	snop  }
0x4: {  	_ = 	snop  }
0x5: {  	_ = 	snop  }
0x6: {  	_ = 	snop  }
0x7: {  	_ = 	snop  }
__scs_overlays_trampoline_lowered:
0x8: {  	[smem:$0x3FAF] =	sst s0  }
0x9: {  	[smem:$0x3FB0] =	sst s1  }
0xa: {  	[smem:$0x3FB1] =	sst s2  }
0xb: {  	[smem:$0x3FB2] =	sst s3  }
0xc: {  	[smem:$0x3FB3] =	sst s4  }
0xd: {  	[smem:$0x3FB4] =	sst s5  }
0xe: {  	[smem:$0x3FB5] =	sst s6  }
0xf: {  	[smem:$0x3FB6] =	sst s7  }
0x10: {  	[smem:$0x3FB7] =	sst s8  }
0x11: {  	[smem:$0x3FB8] =	sst s9;
	s0 =	simm.s32 @!p0 $0x0  }
0x12: {  	s1 =	sld [smem:$0x3F9E];
	s0 =	simm.s32 @p0 $0x1  }
0x13: {  	[smem:$0x3FB9] =	sst s0;
	s0 =	simm.s32 @!p1 $0x0  }
0x14: {  	s2 =	sld [smem:$0x3F9D];
	s0 =	simm.s32 @p1 $0x1  }
0x15: {  	[smem:$0x3FBA] =	sst s0;
	s0 =	simm.s32 @!p2 $0x0  }
0x16: {  	s3 =	sld [smem:$0x3FDB];
	s0 =	simm.s32 @p2 $0x1  }
0x17: {  	s4 =	simm.s32 $0x1BF5;
	[smem:$0x3FBC] =	sst s0  }
0x18: {  	s0 =	sld [smem:$0x3F9F];
	_ =	swait.ge [sflag:s4], $0x0  }
0x19: {  	s7 =	sld [smem:$0x3FA0]  }
0x1a: {  	s8 =	sadd.s32 $0xFFFFE003, lr  }
0x1b: {  	s9 =	sadd.s32 $0xFFFFFEF7, lr;
	s5 =	simm.s32 $0xFFFFFFFF;
	p2 =	slt.u32 s8, $0xFFFFF086  }
0x1c: {  	p1 =	slt.u32 s9, $0xF7A;
	s5 =	simm.s32 @!p2 $0x0  }
0x1d: {  	s5 =	simm.s32 @p1 $0x1;
	p0 =	seq.s32 s7, s2  }
0x1e: {  	s7 =	smul.u32 @!p0 $0xF7A, s2;
	p2 =	seq.s32 @!p0 s5, $0x0  }
0x1f: {  	s9 =	smul.u32 $0xF7A, s1;
	s8 =	simm.s32 @!p0 $0x1BF5;
	p2 =	por !p2, p0  }
0x20: {  	[sflag:s8] =	ssyncset.s32 @!p0 $0xFFFFF086;
	s6 =	sadd.s32 @!p0 s3, s7;
	s7 =	simm.s32 @!p0 $0x108  }
0x21: {  	s3 =	sadd.s32 s3, s9;
	s6 =	sadd.s32 @!p0 $0x88, s6;
	s7 =	simm.s32 @p2 $0x1082  }
0x22: {  	[simem:s7], [sflag:s8] =	dma.local @!p0 [hbm:s6], $0xF7A  }
0x23: {  	s9 =	sor.u32 $0xD0000000, s2;
	s6 =	simm.s32 $0x108;
	_ =	swait.ge @!p0 [sflag:s8], $0x0  }
0x24: {  	s3 =	sadd.s32 $0x88, s3;
	s6 =	simm.s32 @!p1 $0x1082;
	[sflag:s4] =	ssyncset.s32 $0xFFFFF086  }
0x25: {  	[simem:s6], [sflag:s4] =	dma.local [hbm:s3], $0xF7A  }
0x26: {  	[smem:$0x3FA0] =	sst s1;
	(tag) =	ssettag s2;
	_ =	strace s9  }
0x27: {  	s1 =	sld [smem:$0x3FB0]  }
0x28: {  	s2 =	sld [smem:$0x3FB1]  }
0x29: {  	s4 =	sld [smem:$0x3FB3]  }
0x2a: {  	p0 =	seq.s32 s5, $0x0;
	s5 =	sld [smem:$0x3FB4]  }
0x2b: {  	s6 =	sld [smem:$0x3FB5]  }
0x2c: {  	s7 =	sld [smem:$0x3FB6]  }
0x2d: {  	s3 =	simm.s32 $0x108;
	s8 =	sld [smem:$0x3FB7]  }
0x2e: {  	s3 =	simm.s32 @!p0 $0x1082;
	s9 =	sld [smem:$0x3FB8]  }
0x2f: {  	lr =	sadd.s32 s0, s3;
	s0 =	sld [smem:$0x3FAF]  }
0x30: {  	s3 =	sld [smem:$0x3FB2]  }
0x31: {  	[smem:$0x3FBB] =	sst s10  }
0x32: {  	s10 =	sld [smem:$0x3FB9];
	_ =	sdelay $0x3  }
0x33: {  	p0 =	seq.s32 s10, $0x1;
	s10 =	sld [smem:$0x3FBB];
	_ =	sdelay $0x3  }
0x34: {  	[smem:$0x3FBB] =	sst s10  }
0x35: {  	s10 =	sld [smem:$0x3FBA];
	_ =	sdelay $0x3  }
0x36: {  	p1 =	seq.s32 s10, $0x1;
	s10 =	sld [smem:$0x3FBB];
	_ =	sdelay $0x3  }
0x37: {  	[smem:$0x3FBB] =	sst s10  }
0x38: {  	s10 =	sld [smem:$0x3FBC]  }
0x39: {  	_ = 	snop;
	(pc) =	sbr.ind lr, $3  }
0x3a: {  	_ = 	snop  }
0x3b: {  	_ = 	snop  }
0x3c: {  	p2 =	seq.s32 s10, $0x1;
	s10 =	sld [smem:$0x3FBB]  }
0x3d: {  	_ =	shalt  }
0x3e: {  	_ =	shalt  }
0x3f: {  	_ =	shalt  }
0x40: {  	_ =	shalt  }
0x41: {  	_ =	shalt  }
0x42: {  	_ =	shalt  }
0x43: {  	_ =	shalt  }
0x44: {  	_ =	shalt  }
0x45: {  	_ =	shalt  }
0x46: {  	_ =	shalt  }
0x47: {  	_ =	shalt  }
0x48: {  	_ =	shalt  }
0x49: {  	_ =	shalt  }
0x4a: {  	_ =	shalt  }
0x4b: {  	_ =	shalt  }
0x4c: {  	_ =	shalt  }
0x4d: {  	_ =	shalt  }
0x4e: {  	_ =	shalt  }
0x4f: {  	_ =	shalt  }
0x50: {  	_ =	shalt  }
0x51: {  	_ =	shalt  }
0x52: {  	_ =	shalt  }
0x53: {  	_ =	shalt  }
0x54: {  	_ =	shalt  }
0x55: {  	_ =	shalt  }
0x56: {  	_ =	shalt  }
0x57: {  	_ =	shalt  }
0x58: {  	_ =	shalt  }
0x59: {  	_ =	shalt  }
0x5a: {  	_ =	shalt  }
0x5b: {  	_ =	shalt  }
0x5c: {  	_ =	shalt  }
0x5d: {  	_ =	shalt  }
0x5e: {  	_ =	shalt  }
0x5f: {  	_ =	shalt  }
0x60: {  	_ =	shalt  }
0x61: {  	_ =	shalt  }
0x62: {  	_ =	shalt  }
0x63: {  	_ =	shalt  }
0x64: {  	_ =	shalt  }
0x65: {  	_ =	shalt  }
0x66: {  	_ =	shalt  }
0x67: {  	_ =	shalt  }
0x68: {  	_ =	shalt  }
0x69: {  	_ =	shalt  }
0x6a: {  	_ =	shalt  }
0x6b: {  	_ =	shalt  }
0x6c: {  	_ =	shalt  }
0x6d: {  	_ =	shalt  }
0x6e: {  	_ =	shalt  }
0x6f: {  	_ =	shalt  }
0x70: {  	_ =	shalt  }
0x71: {  	_ =	shalt  }
0x72: {  	_ =	shalt  }
0x73: {  	_ =	shalt  }
0x74: {  	_ =	shalt  }
0x75: {  	_ =	shalt  }
0x76: {  	_ =	shalt  }
0x77: {  	_ =	shalt  }
0x78: {  	_ =	shalt  }
0x79: {  	_ =	shalt  }
0x7a: {  	_ =	shalt  }
0x7b: {  	_ =	shalt  }
0x7c: {  	_ =	shalt  }
0x7d: {  	_ =	shalt  }
0x7e: {  	_ =	shalt  }
0x7f: {  	_ =	shalt  }
0x80: {  	_ =	shalt  }
0x81: {  	_ =	shalt  }
0x82: {  	_ =	shalt  }
0x83: {  	_ =	shalt  }
0x84: {  	_ =	shalt  }
0x85: {  	_ =	shalt  }
0x86: {  	_ =	shalt  }
0x87: {  	_ =	shalt  }
.Lfunc_end0:
.L_simem_size_0:
called_computation_lowered:
.L_overlay_start_0:
0x88: {  	s2 =	sld [smem:$0x3FD9]  }
0x89: {  	s3 =	sld [smem:$0x3FFE];
	_ =	sdelay $0x1  }
0x8a: {  	s1 =	srdreg.scid  }
0x8b: {  	s0 =	sand.u32 $0x1, s1  }
0x8c: {  	s17 =	sshll.u32 s0, $0xA;
	s2 =	sadd.s32 s3, s2  }
0x8d: {  	s2 =	sadd.s32 s2, s17  }
0x8e: {  	[smem:$0x3FC7] =	sst s2  }
0x8f: {  	_ = 	snop  }
0x90: {  	s2 =	sld [smem:$0x3FC9];
	(tm) =	ssettm $0x1  }
0x91: {  	s18 =	sld [smem:$0x3FFB];
	_ =	sdelay $0x3  }
0x92: {  	_ =	strace s18  }
0x93: {  	s3 =	sld [smem:$0x3FFC];
	_ =	sdelay $0x3  }
0x94: {  	_ =	strace s3  }
0x95: {  	s3 =	sld [smem:$0x3FFD];
	_ =	sdelay $0x3  }
0x96: {  	_ =	strace s3  }
0x97: {  	_ =	strace $0x8FFFFFFF  }
0x98: {  	s19 =	sld [smem:$0x3FDB];
	_ =	sdelay $0x1  }
0x99: {  	s4 =	simm.s32 $_scs_section_size  }
0x9a: {  	s5 =	simm.s32 $_size__tile_overlayer_lowered;
	s6 =	simm.s32 $_tile_overlayer_lowered  }
0x9b: {  	s22 =	simm.s32 $0x1BFF;
	s21 =	sshll.u32 s6, $0x1;
	s3 =	sadd.s32 s4, s19  }
0x9c: {  	s7 =	simm.s32 $0x0;
	s20 =	sshll.u32 s5, $0x1;
	s5 =	sadd.s32 s21, s3  }
0x9d: {  	[timem:s7], [sflag:s22] =	dma.local [hbm:s5], s20  }
0x9e: {  	_ =	swait.ge [sflag:s22], s20  }
0x9f: {  	s4 =	ssub.s32 $0x0, s20;
	[sflag:s22] =	ssyncset.done $0x0  }
0xa0: {  	[sflag:s22] =	ssyncadd.s32 s4;
	_ =	sdelay $0x1  }
0xa1: {  	s23 =	simm.s32 $0x1B8B  }
0xa2: {  	_ =	swait.ge [sflag:s23], $0x1  }
0xa3: {  	[sflag:s23] =	ssyncset.done $0x0  }
0xa4: {  	s25 =	simm.s32 $0x1B8E;
	s24 =	sld [smem:$0x3FFE];
	[sflag:s23] =	ssyncadd.s32 $0xFFFFFFFF  }
0xa5: {  	s26 =	simm.s32 $execute0_lowered;
	[smem:$0x3FD2] =	sst s25  }
0xa6: {  	s5 =	sshll.u32 s26, $0x1;
	_ =	strace $0x80000046;
	[dreg:$0x1] =	wrdreg $0xFFFFFFFF  }
0xa7: {  	s28 =	simm.s32 $_size_execute0_lowered;
	s3 =	sadd.s32 s3, s5;
	[dreg:$0x0] =	wrdreg $0x0  }
0xa8: {  	s5 =	sshll.u32 s28, $0x1;
	[dreg:$0x2] =	wrdreg s3  }
0xa9: {  	[dreg:$0x3] =	wrdreg s5  }
0xaa: {  	[dreg:$0x4] =	wrdreg $0xC0  }
0xab: {  	_ =	task [dreg:s7], $0x5FFFF  }
0xac: {  	[dreg:$0x1] =	wrdreg $0xFFFFFFFF  }
0xad: {  	[dreg:$0x0] =	wrdreg $0x60  }
0xae: {  	[dreg:$0x2] =	wrdreg s2  }
0xaf: {  	[dreg:$0x3] =	wrdreg s24  }
0xb0: {  	[dreg:$0x4] =	wrdreg $0x9  }
0xb1: {  	_ =	task.clear_ibuf [dreg:s7], $0x5FFFF;
	_ =	strace $0x90000046  }
0xb2: {  	s29 =	simm.s32 $0x9;
	_ =	strace $0x80000048  }
0xb3: {  	_ =	swait.ge [sflag:s29], $0x1  }
0xb4: {  	[sflag:s29] =	ssyncadd.s32 $0xFFFFFFFF  }
0xb5: {  	_ =	strace $0x90000048  }
0xb6: {  	_ =	sfence  }
0xb7: {  	s30 =	sld [smem:$0x0];
	_ =	sdelay $0x2  }
0xb8: {  	s31 =	sshll.u32 s1, $0xD;
	s1 =	sshrl.u32 s1, $0x2  }
0xb9: {  	s3 =	sand.u32 $0x4000, s31;
	s1 =	sadd.s32 s1, s30  }
0xba: {  	s0 =	sor.u32 s3, s0;
	s1 =	sshll.u32 s1, $0x11  }
0xbb: {  	s0 =	sor.u32 s1, s0  }
0xbc: {  	s0 =	sadd.s32 $0x8F2B, s0  }
0xbd: {  	[sflag:s0] =	ssyncadd.remote.s32 $0x1  }
0xbe: {  	_ =	sfence.sel $0xFFFF  }
0xbf: {  	[dreg:$0x0] =	wrdreg $0xFFFFFFFF;
	(pc) =	sbr.abs _section_cstart, $3  }
0xc0: {  	[dreg:$0x1] =	wrdreg $0xFFFFFFFF  }
0xc1: {  	_ =	task.clear_ibuf [dreg:s7], $0x2FFFF;
	_ =	strace $0x9FFFFFFF  }
0xc2: {  	(tm) =	ssettm $0x7FFFFFFF  }
0xc3: {  	_ =	shalt  }
tec
execute0_lowered:
.L_overlay_start_1:
0x0: {  	(tag) =	ssettag $0x1  }
0x1: {  	s2 =	rddreg [dreg:$0x0]  }
0x2: {  	s4 =	rddreg [dreg:$0x1]  }
0x3: {  	s0 =	rddreg [dreg:$0x2];
	s5 =	srdreg.scid  }
0x4: {  	s1 =	stileid.u32;
	s3 =	simm.s32 $0x0;
	s11 =	simm.s32 $0x1  }
0x5: {  	s12 =	simm.s32 $0x2;
	s13 =	simm.s32 $0x10000;
	s14 =	simm.s32 $0x3  }
0x6: {  	s5 =	sand.u32 $0x1, s5;
	s6 =	sshll.u32 s1, $0x1;
	[smem:$0x7FF] =	sst s3  }
0x7: {  	s15 =	simm.s32 $0x0;
	s6 =	sor.u32 s5, s6;
	_ =	strace $0x80000047  }
.Ltmp0:
0x8: {  	s5 =	ssub.s32 $0x2, s5;
	s7 =	sshll.u32 s6, $0x2;
	(pc) =	sbr.rel .LBB2_1-.Ltmp0, $4  }
0x9: {  	s30 =	sshll.u32 s6, $0x10;
	s31 =	sshrl.u32 s5, $0x1;
	s9 =	sshll.u32 s6, $0x13  }
0xa: {  	s8 =	sadd.s32 s7, s4;
	s4 =	sadd.s32 s2, s30;
	s10 =	ssub.s32 s5, s31  }
0xb: {  	s6 =	sor.u32 $0x10000, s9;
	s7 =	sor.u32 $0x18000, s9;
	s5 =	sadd.s32 $0x1000, s4  }
0xc: {  	s8 =	sadd.s32 $0x600, s8;
	s9 =	smax.u32 s10, $0x1;
	s10 =	simm.s32 $0x8000  }
.LBB2_8:
0xd: {  	s15 =	sadd.s32 $0x1, s15  }
0xe: {  	[tilespmem:$0x10000] =	vst v2;
	p0 =	sne.s32 s15, s9  }
.Ltmp1:
0xf: {  	[tilespmem:$0x10010] =	vst v1;
	(pc) =	sbr.rel @!p0 .LBB2_9-.Ltmp1, $4  }
0x10: {  	[hbm4b:s8+s3] =	stream.linear.scatter [tilespmem:s13], [sflag:$0x3], $0x20, $0x38;
	[tilespmem:$0x10080] =	vst v63  }
0x11: {  	_ =	swait.ge [sflag:s14], $0x20  }
0x12: {  	[sflag:s14] =	ssyncset.done $0x0  }
0x13: {  	[sflag:s14] =	ssyncadd.s32 $0xFFFFFFE0  }
.LBB2_1:
0x14: {  	[tilespmem:s3], [sflag:$0x1] =	stream.linear.gather [hbm4b:s4+s3], $0x8000, $0x38;
	[tilespmem:$0x10080] =	vst v63  }
0x15: {  	s16 =	simm.s32 $0x0  }
0x16: {  	v2 =	vimm.f32 $+Inf;
	v1 =	vimm.f32 $-Inf;
	[tilespmem:s10], [sflag:$0x2] =	stream.linear.gather [hbm4b:s5+s3], $0x8000, $0x38;
	[tilespmem:$0x10080] =	vst v63  }
.LBB2_2:
0x17: {  	_ =	swait.ge [sflag:s11], $0x8000  }
0x18: {  	[sflag:s11] =	ssyncset.done $0x0  }
0x19: {  	s18 =	simm.s32 $0x40;
	[sflag:s11] =	ssyncadd.s32 $0xFFFF8000  }
0x1a: {  	v4 =	vld [tilespmem:s18+$0xFFFFFFC0]  }
0x1b: {  	v5 =	vld [tilespmem:s18+$0xFFFFFFD0]  }
0x1c: {  	v6 =	vld [tilespmem:s18+$0xFFFFFFE0]  }
0x1d: {  	v3 =	vld [tilespmem:s18+$0xFFFFFFF0]  }
0x1e: {  	v0 =	vld [tilespmem:s18+$0x0]  }
0x1f: {  	v2 =	vmin.f32 v2, v4;
	v4 =	vmax.f32 v1, v4;
	v1 =	vld [tilespmem:s18+$0x10]  }
0x20: {  	v7 =	vmin.f32 v2, v5;
	v4 =	vmax.f32 v4, v5;
	v2 =	vld [tilespmem:s18+$0x20]  }
0x21: {  	s17 =	simm.s32 $0x0;
	v5 =	vmin.f32 v7, v6;
	v6 =	vmax.f32 v4, v6;
	v4 =	vld [tilespmem:s18+$0x30];
	s18 =	simm.s32 $0xC0  }
.LBB2_3:
0x22: {  	v7 =	vld [tilespmem:s18+$0xFFFFFFC0];
	s17 =	sadd.s32 $0x8, s17;
	v5 =	vmin.f32 v5, v3;
	v3 =	vmax.f32 v6, v3  }
0x23: {  	v6 =	vld [tilespmem:s18+$0xFFFFFFD0];
	p0 =	slt.u32 s17, $0x7F8;
	v5 =	vmin.f32 v5, v0;
	v0 =	vmax.f32 v3, v0  }
0x24: {  	v8 =	vld [tilespmem:s18+$0xFFFFFFE0];
	v5 =	vmin.f32 v5, v1;
	v0 =	vmax.f32 v0, v1  }
.Ltmp2:
0x25: {  	v3 =	vld [tilespmem:s18+$0xFFFFFFF0];
	v1 =	vmin.f32 v5, v2;
	v2 =	vmax.f32 v0, v2;
	(pc) =	sbr.rel @p0 .LBB2_3-.Ltmp2, $4  }
0x26: {  	v0 =	vld [tilespmem:s18+$0x0];
	v1 =	vmin.f32 v1, v4;
	v2 =	vmax.f32 v2, v4  }
0x27: {  	v4 =	vmin.f32 v1, v7;
	v2 =	vmax.f32 v2, v7;
	v1 =	vld [tilespmem:s18+$0x10]  }
0x28: {  	v4 =	vmin.f32 v4, v6;
	v6 =	vmax.f32 v2, v6;
	v2 =	vld [tilespmem:s18+$0x20]  }
0x29: {  	v5 =	vmin.f32 v4, v8;
	v6 =	vmax.f32 v6, v8;
	v4 =	vld [tilespmem:s18+$0x30];
	s18 =	sadd.s32 $0x80, s18  }
0x2a: {  	s17 =	sshll.u32 s16, $0x10;
	p0 =	seq.s32 s16, $0x7  }
0x2b: {  	s18 =	sadd.s32 @!p0 s17, s6  }
0x2c: {  	s18 =	sshrl.u32 @!p0 s18, $0x3  }
0x2d: {  	s19 =	simm.s32 @!p0 $0x0;
	s18 =	sadd.s32 @!p0 s2, s18  }
0x2e: {  	[tilespmem:s19], [sflag:$0x1] =	stream.linear.gather @!p0 [hbm4b:s18+s19], $0x8000, $0x38;
	[tilespmem:$0x10080] =	vst v63  }
0x2f: {  	_ =	swait.ge [sflag:s12], $0x8000  }
0x30: {  	[sflag:s12] =	ssyncset.done $0x0  }
0x31: {  	s31 =	simm.s32 $0x8040;
	[sflag:s12] =	ssyncadd.s32 $0xFFFF8000  }
0x32: {  	v5 =	vmin.f32 v5, v3;
	v3 =	vmax.f32 v6, v3;
	v6 =	vld [tilespmem:s31+$0xFFFFFFC0]  }
0x33: {  	v5 =	vmin.f32 v5, v0;
	v0 =	vmax.f32 v3, v0;
	v3 =	vld [tilespmem:s31+$0xFFFFFFD0]  }
0x34: {  	v5 =	vmin.f32 v5, v1;
	v0 =	vmax.f32 v0, v1;
	v7 =	vld [tilespmem:s31+$0xFFFFFFE0]  }
0x35: {  	v1 =	vmin.f32 v5, v2;
	v2 =	vmax.f32 v0, v2;
	v0 =	vld [tilespmem:s31+$0xFFFFFFF0]  }
0x36: {  	v5 =	vmin.f32 v1, v4;
	v2 =	vmax.f32 v2, v4;
	v1 =	vld [tilespmem:s31+$0x0]  }
0x37: {  	v4 =	vmin.f32 v5, v6;
	v5 =	vmax.f32 v2, v6;
	v2 =	vld [tilespmem:s31+$0x10]  }
0x38: {  	v4 =	vmin.f32 v4, v3;
	v6 =	vmax.f32 v5, v3;
	v3 =	vld [tilespmem:s31+$0x20]  }
0x39: {  	s18 =	simm.s32 $0x0;
	s19 =	simm.s32 $0x80C0;
	v5 =	vmin.f32 v4, v7;
	v6 =	vmax.f32 v6, v7;
	v4 =	vld [tilespmem:s31+$0x30]  }
.LBB2_5:
0x3a: {  	v7 =	vld [tilespmem:s19+$0xFFFFFFC0];
	s18 =	sadd.s32 $0x8, s18;
	v5 =	vmin.f32 v5, v0;
	v0 =	vmax.f32 v6, v0  }
0x3b: {  	v6 =	vld [tilespmem:s19+$0xFFFFFFD0];
	p1 =	slt.u32 s18, $0x7F8;
	v5 =	vmin.f32 v5, v1;
	v0 =	vmax.f32 v0, v1  }
0x3c: {  	v8 =	vld [tilespmem:s19+$0xFFFFFFE0];
	v1 =	vmin.f32 v5, v2;
	v2 =	vmax.f32 v0, v2  }
.Ltmp3:
0x3d: {  	v0 =	vld [tilespmem:s19+$0xFFFFFFF0];
	v5 =	vmin.f32 v1, v3;
	v2 =	vmax.f32 v2, v3;
	(pc) =	sbr.rel @p1 .LBB2_5-.Ltmp3, $4  }
0x3e: {  	v1 =	vld [tilespmem:s19+$0x0];
	v3 =	vmin.f32 v5, v4;
	v2 =	vmax.f32 v2, v4  }
0x3f: {  	v3 =	vmin.f32 v3, v7;
	v4 =	vmax.f32 v2, v7;
	v2 =	vld [tilespmem:s19+$0x10]  }
0x40: {  	v5 =	vmin.f32 v3, v6;
	v4 =	vmax.f32 v4, v6;
	v3 =	vld [tilespmem:s19+$0x20]  }
0x41: {  	v5 =	vmin.f32 v5, v8;
	v6 =	vmax.f32 v4, v8;
	v4 =	vld [tilespmem:s19+$0x30];
	s19 =	sadd.s32 $0x80, s19  }
.Ltmp4:
0x42: {  	v5 =	vmin.f32 v5, v0;
	v0 =	vmax.f32 v6, v0;
	(pc) =	sbr.rel @p0 .LBB2_8-.Ltmp4, $4  }
0x43: {  	v5 =	vmin.f32 v5, v1;
	v0 =	vmax.f32 v0, v1  }
0x44: {  	v1 =	vmin.f32 v5, v2;
	v0 =	vmax.f32 v0, v2  }
0x45: {  	v1 =	vmin.f32 v1, v3;
	v0 =	vmax.f32 v0, v3  }
0x46: {  	v2 =	vmin.f32 v1, v4;
	v1 =	vmax.f32 v0, v4  }
.Ltmp5:
0x47: {  	(pc) =	sbr.rel .LBB2_2-.Ltmp5, $4  }
0x48: {  	s17 =	sadd.s32 s17, s7  }
0x49: {  	s17 =	sshrl.u32 s17, $0x3  }
0x4a: {  	s16 =	sadd.s32 $0x1, s16;
	s17 =	sadd.s32 s2, s17  }
0x4b: {  	[tilespmem:s10], [sflag:$0x2] =	stream.linear.gather [hbm4b:s17+s3], $0x8000, $0x38;
	[tilespmem:$0x10080] =	vst v63  }
.LBB2_9:
0x4c: {  	_ =	sfence.sel $0x180000  }
0x4d: {  	[bflag:$0x0] =	sbarrier.arrive $0xFFFF  }
0x4e: {  	p0 =	sne.s32 s1, $0x0;
	_ =	strace $0x90000047  }
0x4f: {  	s0 =	sadd.s32 @!p0 $0x100000, s0;
	[bflag:$0x2] =	sbarrier.arrive $0xFFFF  }
0x50: {  	[sflag:s0] =	ssyncadd.tile.s32 @!p0 $0x1;
	_ =	shalt  }
.Lfunc_end2:
_tile_overlayer_lowered:
.L_overlay_start_2:
0x51: {  	(tag) =	ssettag $0x2  }
0x52: {  	s0 =	rddreg [dreg:$0x0];
	s2 =	stileid.u32  }
0x53: {  	s1 =	rddreg [dreg:$0x1];
	p0 =	sne.s32 s2, $0x0  }
0x54: {  	s3 =	rddreg [dreg:$0x2];
	[bflag:$0x3] =	sbarrier.arrive $0xFFFF;
	s2 =	simm.s32 @!p0 $0x1C03  }
0x55: {  	[timem:s3], [sflag:s2] =	dma.local @!p0 [hbm:s0], s1  }
0x56: {  	s0 =	simm.s32 @!p0 $0x3  }
0x57: {  	_ =	swait.ge @!p0 [sflag:s0], s1  }
0x58: {  	s1 =	ssub.s32 @!p0 $0x0, s1;
	[sflag:s0] =	ssyncset.done @!p0 $0x0  }
0x59: {  	[sflag:s0] =	ssyncadd.s32 @!p0 s1  }
0x5a: {  	[bflag:$0x3] =	sbarrier.arrive $0xFFFF  }
0x5b: {  	_ =	shalt  }

// kernel: kernel.8.cloned.1.call-start
scs
__scs_entry_jumppad:
0x0: {  	(pc) =	sbr.rel $0x88, $3  }
0x1: {  	(tag) =	ssettag $0x0;
	lr =	simm.s32 $0x1  }
0x2: {  	[smem:$0x3FA0] =	sst lr;
	_ =	strace $0xD0000000  }
0x3: {  	_ = 	snop  }
0x4: {  	_ = 	snop  }
0x5: {  	_ = 	snop  }
0x6: {  	_ = 	snop  }
0x7: {  	_ = 	snop  }
__scs_overlays_trampoline_lowered:
0x8: {  	[smem:$0x3FAF] =	sst s0  }
0x9: {  	[smem:$0x3FB0] =	sst s1  }
0xa: {  	[smem:$0x3FB1] =	sst s2  }
0xb: {  	[smem:$0x3FB2] =	sst s3  }
0xc: {  	[smem:$0x3FB3] =	sst s4  }
0xd: {  	[smem:$0x3FB4] =	sst s5  }
0xe: {  	[smem:$0x3FB5] =	sst s6  }
0xf: {  	[smem:$0x3FB6] =	sst s7  }
0x10: {  	[smem:$0x3FB7] =	sst s8  }
0x11: {  	[smem:$0x3FB8] =	sst s9;
	s0 =	simm.s32 @!p0 $0x0  }
0x12: {  	s1 =	sld [smem:$0x3F9E];
	s0 =	simm.s32 @p0 $0x1  }
0x13: {  	[smem:$0x3FB9] =	sst s0;
	s0 =	simm.s32 @!p1 $0x0  }
0x14: {  	s2 =	sld [smem:$0x3F9D];
	s0 =	simm.s32 @p1 $0x1  }
0x15: {  	[smem:$0x3FBA] =	sst s0;
	s0 =	simm.s32 @!p2 $0x0  }
0x16: {  	s3 =	sld [smem:$0x3FDB];
	s0 =	simm.s32 @p2 $0x1  }
0x17: {  	s4 =	simm.s32 $0x1BF5;
	[smem:$0x3FBC] =	sst s0  }
0x18: {  	s0 =	sld [smem:$0x3F9F];
	_ =	swait.ge [sflag:s4], $0x0  }
0x19: {  	s7 =	sld [smem:$0x3FA0]  }
0x1a: {  	s8 =	sadd.s32 $0xFFFFE003, lr  }
0x1b: {  	s9 =	sadd.s32 $0xFFFFFEF7, lr;
	s5 =	simm.s32 $0xFFFFFFFF;
	p2 =	slt.u32 s8, $0xFFFFF086  }
0x1c: {  	p1 =	slt.u32 s9, $0xF7A;
	s5 =	simm.s32 @!p2 $0x0  }
0x1d: {  	s5 =	simm.s32 @p1 $0x1;
	p0 =	seq.s32 s7, s2  }
0x1e: {  	s7 =	smul.u32 @!p0 $0xF7A, s2;
	p2 =	seq.s32 @!p0 s5, $0x0  }
0x1f: {  	s9 =	smul.u32 $0xF7A, s1;
	s8 =	simm.s32 @!p0 $0x1BF5;
	p2 =	por !p2, p0  }
0x20: {  	[sflag:s8] =	ssyncset.s32 @!p0 $0xFFFFF086;
	s6 =	sadd.s32 @!p0 s3, s7;
	s7 =	simm.s32 @!p0 $0x108  }
0x21: {  	s3 =	sadd.s32 s3, s9;
	s6 =	sadd.s32 @!p0 $0x88, s6;
	s7 =	simm.s32 @p2 $0x1082  }
0x22: {  	[simem:s7], [sflag:s8] =	dma.local @!p0 [hbm:s6], $0xF7A  }
0x23: {  	s9 =	sor.u32 $0xD0000000, s2;
	s6 =	simm.s32 $0x108;
	_ =	swait.ge @!p0 [sflag:s8], $0x0  }
0x24: {  	s3 =	sadd.s32 $0x88, s3;
	s6 =	simm.s32 @!p1 $0x1082;
	[sflag:s4] =	ssyncset.s32 $0xFFFFF086  }
0x25: {  	[simem:s6], [sflag:s4] =	dma.local [hbm:s3], $0xF7A  }
0x26: {  	[smem:$0x3FA0] =	sst s1;
	(tag) =	ssettag s2;
	_ =	strace s9  }
0x27: {  	s1 =	sld [smem:$0x3FB0]  }
0x28: {  	s2 =	sld [smem:$0x3FB1]  }
0x29: {  	s4 =	sld [smem:$0x3FB3]  }
0x2a: {  	p0 =	seq.s32 s5, $0x0;
	s5 =	sld [smem:$0x3FB4]  }
0x2b: {  	s6 =	sld [smem:$0x3FB5]  }
0x2c: {  	s7 =	sld [smem:$0x3FB6]  }
0x2d: {  	s3 =	simm.s32 $0x108;
	s8 =	sld [smem:$0x3FB7]  }
0x2e: {  	s3 =	simm.s32 @!p0 $0x1082;
	s9 =	sld [smem:$0x3FB8]  }
0x2f: {  	lr =	sadd.s32 s0, s3;
	s0 =	sld [smem:$0x3FAF]  }
0x30: {  	s3 =	sld [smem:$0x3FB2]  }
0x31: {  	[smem:$0x3FBB] =	sst s10  }
0x32: {  	s10 =	sld [smem:$0x3FB9];
	_ =	sdelay $0x3  }
0x33: {  	p0 =	seq.s32 s10, $0x1;
	s10 =	sld [smem:$0x3FBB];
	_ =	sdelay $0x3  }
0x34: {  	[smem:$0x3FBB] =	sst s10  }
0x35: {  	s10 =	sld [smem:$0x3FBA];
	_ =	sdelay $0x3  }
0x36: {  	p1 =	seq.s32 s10, $0x1;
	s10 =	sld [smem:$0x3FBB];
	_ =	sdelay $0x3  }
0x37: {  	[smem:$0x3FBB] =	sst s10  }
0x38: {  	s10 =	sld [smem:$0x3FBC]  }
0x39: {  	_ = 	snop;
	(pc) =	sbr.ind lr, $3  }
0x3a: {  	_ = 	snop  }
0x3b: {  	_ = 	snop  }
0x3c: {  	p2 =	seq.s32 s10, $0x1;
	s10 =	sld [smem:$0x3FBB]  }
0x3d: {  	_ =	shalt  }
0x3e: {  	_ =	shalt  }
0x3f: {  	_ =	shalt  }
0x40: {  	_ =	shalt  }
0x41: {  	_ =	shalt  }
0x42: {  	_ =	shalt  }
0x43: {  	_ =	shalt  }
0x44: {  	_ =	shalt  }
0x45: {  	_ =	shalt  }
0x46: {  	_ =	shalt  }
0x47: {  	_ =	shalt  }
0x48: {  	_ =	shalt  }
0x49: {  	_ =	shalt  }
0x4a: {  	_ =	shalt  }
0x4b: {  	_ =	shalt  }
0x4c: {  	_ =	shalt  }
0x4d: {  	_ =	shalt  }
0x4e: {  	_ =	shalt  }
0x4f: {  	_ =	shalt  }
0x50: {  	_ =	shalt  }
0x51: {  	_ =	shalt  }
0x52: {  	_ =	shalt  }
0x53: {  	_ =	shalt  }
0x54: {  	_ =	shalt  }
0x55: {  	_ =	shalt  }
0x56: {  	_ =	shalt  }
0x57: {  	_ =	shalt  }
0x58: {  	_ =	shalt  }
0x59: {  	_ =	shalt  }
0x5a: {  	_ =	shalt  }
0x5b: {  	_ =	shalt  }
0x5c: {  	_ =	shalt  }
0x5d: {  	_ =	shalt  }
0x5e: {  	_ =	shalt  }
0x5f: {  	_ =	shalt  }
0x60: {  	_ =	shalt  }
0x61: {  	_ =	shalt  }
0x62: {  	_ =	shalt  }
0x63: {  	_ =	shalt  }
0x64: {  	_ =	shalt  }
0x65: {  	_ =	shalt  }
0x66: {  	_ =	shalt  }
0x67: {  	_ =	shalt  }
0x68: {  	_ =	shalt  }
0x69: {  	_ =	shalt  }
0x6a: {  	_ =	shalt  }
0x6b: {  	_ =	shalt  }
0x6c: {  	_ =	shalt  }
0x6d: {  	_ =	shalt  }
0x6e: {  	_ =	shalt  }
0x6f: {  	_ =	shalt  }
0x70: {  	_ =	shalt  }
0x71: {  	_ =	shalt  }
0x72: {  	_ =	shalt  }
0x73: {  	_ =	shalt  }
0x74: {  	_ =	shalt  }
0x75: {  	_ =	shalt  }
0x76: {  	_ =	shalt  }
0x77: {  	_ =	shalt  }
0x78: {  	_ =	shalt  }
0x79: {  	_ =	shalt  }
0x7a: {  	_ =	shalt  }
0x7b: {  	_ =	shalt  }
0x7c: {  	_ =	shalt  }
0x7d: {  	_ =	shalt  }
0x7e: {  	_ =	shalt  }
0x7f: {  	_ =	shalt  }
0x80: {  	_ =	shalt  }
0x81: {  	_ =	shalt  }
0x82: {  	_ =	shalt  }
0x83: {  	_ =	shalt  }
0x84: {  	_ =	shalt  }
0x85: {  	_ =	shalt  }
0x86: {  	_ =	shalt  }
0x87: {  	_ =	shalt  }
.Lfunc_end0:
.L_simem_size_0:
called_computation.1_lowered:
.L_overlay_start_0:
0x88: {  	s2 =	sld [smem:$0x3FD9]  }
0x89: {  	s3 =	sld [smem:$0x3FFE];
	_ =	sdelay $0x1  }
0x8a: {  	s1 =	srdreg.scid  }
0x8b: {  	s0 =	sand.u32 $0x1, s1  }
0x8c: {  	s17 =	sshll.u32 s0, $0xA;
	s2 =	sadd.s32 s3, s2  }
0x8d: {  	s2 =	sadd.s32 s2, s17  }
0x8e: {  	[smem:$0x3FC7] =	sst s2  }
0x8f: {  	_ = 	snop  }
0x90: {  	s2 =	sld [smem:$0x3FC9];
	(tm) =	ssettm $0x1  }
0x91: {  	s18 =	sld [smem:$0x3FFB];
	_ =	sdelay $0x3  }
0x92: {  	_ =	strace s18  }
0x93: {  	s3 =	sld [smem:$0x3FFC];
	_ =	sdelay $0x3  }
0x94: {  	_ =	strace s3  }
0x95: {  	s3 =	sld [smem:$0x3FFD];
	_ =	sdelay $0x3  }
0x96: {  	_ =	strace s3  }
0x97: {  	_ =	strace $0x8FFFFFFF  }
0x98: {  	s19 =	sld [smem:$0x3FDB];
	_ =	sdelay $0x1  }
0x99: {  	s4 =	simm.s32 $_scs_section_size  }
0x9a: {  	s5 =	simm.s32 $_size__tile_overlayer_lowered;
	s6 =	simm.s32 $_tile_overlayer_lowered  }
0x9b: {  	s22 =	simm.s32 $0x1BFF;
	s21 =	sshll.u32 s6, $0x1;
	s3 =	sadd.s32 s4, s19  }
0x9c: {  	s7 =	simm.s32 $0x0;
	s20 =	sshll.u32 s5, $0x1;
	s5 =	sadd.s32 s21, s3  }
0x9d: {  	[timem:s7], [sflag:s22] =	dma.local [hbm:s5], s20  }
0x9e: {  	_ =	swait.ge [sflag:s22], s20  }
0x9f: {  	s4 =	ssub.s32 $0x0, s20;
	[sflag:s22] =	ssyncset.done $0x0  }
0xa0: {  	[sflag:s22] =	ssyncadd.s32 s4;
	_ =	sdelay $0x1  }
0xa1: {  	s23 =	simm.s32 $0x1B8B  }
0xa2: {  	_ =	swait.ge [sflag:s23], $0x1  }
0xa3: {  	[sflag:s23] =	ssyncset.done $0x0  }
0xa4: {  	s25 =	simm.s32 $0x1B8E;
	s24 =	sld [smem:$0x3FFE];
	[sflag:s23] =	ssyncadd.s32 $0xFFFFFFFF  }
0xa5: {  	s26 =	simm.s32 $execute0_lowered;
	[smem:$0x3FD2] =	sst s25  }
0xa6: {  	s5 =	sshll.u32 s26, $0x1;
	_ =	strace $0x80000049;
	[dreg:$0x1] =	wrdreg $0xFFFFFFFF  }
0xa7: {  	s28 =	simm.s32 $_size_execute0_lowered;
	s3 =	sadd.s32 s3, s5;
	[dreg:$0x0] =	wrdreg $0x0  }
0xa8: {  	s5 =	sshll.u32 s28, $0x1;
	[dreg:$0x2] =	wrdreg s3  }
0xa9: {  	[dreg:$0x3] =	wrdreg s5  }
0xaa: {  	[dreg:$0x4] =	wrdreg $0xC0  }
0xab: {  	_ =	task [dreg:s7], $0x5FFFF  }
0xac: {  	[dreg:$0x1] =	wrdreg $0xFFFFFFFF  }
0xad: {  	[dreg:$0x0] =	wrdreg $0x60  }
0xae: {  	[dreg:$0x2] =	wrdreg s2  }
0xaf: {  	[dreg:$0x3] =	wrdreg s24  }
0xb0: {  	[dreg:$0x4] =	wrdreg $0x9  }
0xb1: {  	_ =	task.clear_ibuf [dreg:s7], $0x5FFFF;
	_ =	strace $0x90000049  }
0xb2: {  	s29 =	simm.s32 $0x9;
	_ =	strace $0x8000004B  }
0xb3: {  	_ =	swait.ge [sflag:s29], $0x1  }
0xb4: {  	[sflag:s29] =	ssyncadd.s32 $0xFFFFFFFF  }
0xb5: {  	_ =	strace $0x9000004B  }
0xb6: {  	_ =	sfence  }
0xb7: {  	s30 =	sld [smem:$0x0];
	_ =	sdelay $0x2  }
0xb8: {  	s31 =	sshll.u32 s1, $0xD;
	s1 =	sshrl.u32 s1, $0x2  }
0xb9: {  	s3 =	sand.u32 $0x4000, s31;
	s1 =	sadd.s32 s1, s30  }
0xba: {  	s0 =	sor.u32 s3, s0;
	s1 =	sshll.u32 s1, $0x11  }
0xbb: {  	s0 =	sor.u32 s1, s0  }
0xbc: {  	s0 =	sadd.s32 $0x8F2B, s0  }
0xbd: {  	[sflag:s0] =	ssyncadd.remote.s32 $0x1  }
0xbe: {  	_ =	sfence.sel $0xFFFF  }
0xbf: {  	[dreg:$0x0] =	wrdreg $0xFFFFFFFF;
	(pc) =	sbr.abs _section_cstart, $3  }
0xc0: {  	[dreg:$0x1] =	wrdreg $0xFFFFFFFF  }
0xc1: {  	_ =	task.clear_ibuf [dreg:s7], $0x2FFFF;
	_ =	strace $0x9FFFFFFF  }
0xc2: {  	(tm) =	ssettm $0x7FFFFFFF  }
0xc3: {  	_ =	shalt  }
tec
execute0_lowered:
.L_overlay_start_1:
0x0: {  	(tag) =	ssettag $0x1  }
0x1: {  	s1 =	rddreg [dreg:$0x0]  }
0x2: {  	s6 =	rddreg [dreg:$0x1]  }
0x3: {  	s0 =	rddreg [dreg:$0x2];
	s3 =	simm.s32 $0x0;
	s4 =	srdreg.scid  }
0x4: {  	s2 =	stileid.u32;
	s13 =	simm.s32 $0x3;
	s14 =	simm.s32 $0x10180  }
0x5: {  	s15 =	simm.s32 $0x8000;
	s16 =	simm.s32 $0x1;
	s17 =	simm.s32 $0x10200  }
0x6: {  	s18 =	simm.s32 $0x2;
	s19 =	simm.s32 $0x11280;
	s20 =	simm.s32 $0x0  }
0x7: {  	[smem:$0x7FF] =	sst s3;
	s7 =	sand.u32 $0x1, s4;
	s29 =	sshll.u32 s2, $0x1  }
0x8: {  	s4 =	sadd.s32 $0xA00, s6;
	s5 =	sadd.s32 $0xC00, s6;
	s8 =	sor.u32 s7, s29  }
0x9: {  	_ =	strace $0x8000004A;
	s7 =	ssub.s32 $0x2, s7;
	s9 =	sshll.u32 s8, $0x5  }
0xa: {  	v0 =	vlaneseq.u32;
	s30 =	sshll.u32 s8, $0x10;
	s31 =	sshrl.u32 s7, $0x1;
	s11 =	sshll.u32 s8, $0x13  }
0xb: {  	v0 =	vmul.u32 $0x101, v0;
	s10 =	sadd.s32 s9, s6;
	s6 =	sadd.s32 s1, s30;
	s12 =	ssub.s32 s7, s31  }
0xc: {  	v1 =	vimm.f32 $0.0e+00;
	v3 =	vimm.f32 $1.000000000e+00;
	s8 =	sor.u32 $0x10000, s11;
	s9 =	sor.u32 $0x18000, s11;
	s7 =	sadd.s32 $0x1000, s6  }
0xd: {  	vm0 =	vmmov $0x7fff;
	v2 =	vadd.s32 $0x1, v0;
	v4 =	vadd.s32 $0x100, v0;
	s10 =	sadd.s32 $0xE00, s10;
	s11 =	smax.u32 s12, $0x1;
	s12 =	simm.s32 $0x10000  }
.LBB2_1:
0xe: {  	[tilespmem:s12], [sflag:$0x3] =	stream.linear.gather [hbm4b:s4+s3], $0x180, $0x38;
	[tilespmem:$0x11380] =	vst v63  }
0xf: {  	_ =	swait.ge [sflag:s13], $0x180  }
0x10: {  	[sflag:s13] =	ssyncset.done $0x0  }
0x11: {  	[sflag:s13] =	ssyncadd.s32 $0xFFFFFE80  }
0x12: {  	[tilespmem:s14], [sflag:$0x3] =	stream.linear.gather [hbm4b:s5+s3], $0x80, $0x38;
	[tilespmem:$0x11380] =	vst v63  }
0x13: {  	_ =	swait.ge [sflag:s13], $0x80  }
0x14: {  	[sflag:s13] =	ssyncset.done $0x0  }
0x15: {  	[sflag:s13] =	ssyncadd.s32 $0xFFFFFF80  }
0x16: {  	s21 =	simm.s32 $0x40;
	s22 =	simm.s32 $0x0;
	v6 =	vld [tilespmem:$0x10180]  }
.LBB2_2:
0x17: {  	p0 =	sne.s32 s21, $0x4000;
	[tilespmem:s22+$0x10200] =	vst v1;
	s22 =	smov.u32 s21;
	s21 =	sadd.s32 $0x40, s21  }
.Ltmp0:
0x18: {  	(pc) =	sbr.rel @p0 .LBB2_2-.Ltmp0, $2  }
0x19: {  	_ =	sdelay $0x2  }
0x1a: {  	s22 =	sshra.s32 s22, $0x2  }
0x1b: {  	[tilespmem:s22+$0x10200] =	vst v1;
	s21 =	simm.s32 $0x0  }
0x1c: {  	[tilespmem:s21], [sflag:$0x1] =	stream.linear.gather [hbm4b:s6+s21], $0x8000, $0x38;
	[tilespmem:$0x11380] =	vst v63  }
0x1d: {  	v5 =	vbroadcast v6, $0x3;
	v6 =	vbroadcast v6, $0x2  }
0x1e: {  	[tilespmem:s15], [sflag:$0x2] =	stream.linear.gather [hbm4b:s7+s21], $0x8000, $0x38;
	[tilespmem:$0x11380] =	vst v63  }
.LBB2_4:
0x1f: {  	_ =	swait.ge [sflag:s16], $0x8000  }
0x20: {  	[sflag:s16] =	ssyncset.done $0x0  }
0x21: {  	s22 =	simm.s32 $0x40;
	[sflag:s16] =	ssyncadd.s32 $0xFFFF8000  }
0x22: {  	v17 =	vld [tilespmem:s22+$0xFFFFFFC0]  }
0x23: {  	v24 =	vld [tilespmem:s22+$0x30]  }
0x24: {  	v33 =	vld [tilespmem:s22+$0xFFFFFFD0]  }
0x25: {  	v25 =	vld [tilespmem:s22+$0x20];
	_ =	sdelay $0x2  }
0x26: {  	v7 =	vsub.f32 v17, v5  }
0x27: {  	v28 =	vld [tilespmem:s22+$0x0];
	v9 =	vsub.f32 v24, v5;
	v15 =	vsub.f32 v33, v5  }
0x28: {  	v11 =	vld [tilespmem:s22+$0xFFFFFFF0];
	v10 =	vsub.f32 v25, v5;
	v7 =	vmul.f32 v7, v6  }
0x29: {  	v8 =	vld [tilespmem:s22+$0x10];
	v9 =	vmul.f32 v9, v6;
	v15 =	vmul.f32 v15, v6  }
0x2a: {  	v10 =	vmul.f32 v10, v6;
	v7 =	vmax.f32 v7, $0.0e+00  }
0x2b: {  	v14 =	vld [tilespmem:s22+$0xFFFFFFE0];
	v9 =	vmax.f32 v9, $0.0e+00;
	v15 =	vmax.f32 v15, $0.0e+00;
	v7 =	vtrunc.f32 v7  }
0x2c: {  	v26 =	vcvt.f32.s32 v7;
	v7 =	vtrunc.f32 v9;
	v9 =	vsub.f32 v28, v5  }
0x2d: {  	s22 =	simm.s32 $0xC0;
	v12 =	vsub.f32 v11, v5;
	v15 =	vtrunc.f32 v15;
	v29 =	vcvt.f32.s32 v7  }
0x2e: {  	v7 =	vsub.f32 v8, v5;
	v13 =	vmul.f32 v9, v6;
	v9 =	vmax.f32 v10, $0.0e+00;
	v10 =	vld [tilespmem:s22+$0xFFFFFFC0]  }
0x2f: {  	v16 =	vmul.f32 v12, v6;
	v36 =	vcvt.f32.s32 v15  }
0x30: {  	v18 =	vsub.f32 v14, v5;
	v7 =	vmul.f32 v7, v6;
	v12 =	vtrunc.f32 v9;
	v9 =	vld [tilespmem:s22+$0x30]  }
0x31: {  	v15 =	vld [tilespmem:s22+$0x20];
	v31 =	vcvt.f32.s32 v12  }
0x32: {  	v12 =	vmax.f32 v13, $0.0e+00;
	v13 =	vmul.f32 v18, v6;
	v7 =	vmax.f32 v7, $0.0e+00;
	v23 =	vld.idx.msk [tilespmem:v26+s12+$0x0], $0xffff  }
0x33: {  	v20 =	vtrunc.f32 v7;
	v7 =	vtrunc.f32 v12;
	v12 =	vld [tilespmem:s22+$0xFFFFFFE0];
	v18 =	vsub.f32 v10, v5  }
0x34: {  	v16 =	vmax.f32 v16, $0.0e+00;
	v19 =	vmax.f32 v13, $0.0e+00;
	v13 =	vld [tilespmem:s22+$0xFFFFFFF0];
	v22 =	vcvt.f32.s32 v7  }
0x35: {  	v35 =	vld.idx.msk [tilespmem:v36+s12+$0x0], $0xffff;
	v19 =	vtrunc.f32 v19;
	v21 =	vsub.f32 v9, v5;
	v18 =	vmul.f32 v18, v6  }
0x36: {  	v16 =	vtrunc.f32 v16;
	v27 =	vld.idx.msk [tilespmem:v29+s12+$0x0], $0xffff;
	v19 =	vcvt.f32.s32 v19  }
0x37: {  	v7 =	vld [tilespmem:s22+$0x10];
	v20 =	vcvt.f32.s32 v20;
	v30 =	vmul.f32 v21, v6;
	v18 =	vmax.f32 v18, $0.0e+00  }
0x38: {  	v32 =	vld.idx.msk [tilespmem:v31+s12+$0x0], $0xffff;
	v21 =	vcvt.f32.s32 v16;
	v18 =	vtrunc.f32 v18  }
0x39: {  	v16 =	vld [tilespmem:s22+$0x0];
	vm1 =	vge.f32 v17, v23;
	v30 =	vmax.f32 v30, $0.0e+00;
	v17 =	vcvt.f32.s32 v18  }
0x3a: {  	v38 =	vsub.f32 v15, v5;
	v23 =	vld [tilespmem:s22+$0xFFFFFFD0];
	v18 =	vtrunc.f32 v30;
	v30 =	vsel vm1, v2, v0  }
0x3b: {  	v34 =	vld.idx.msk [tilespmem:v22+s12+$0x0], $0xffff;
	vm1 =	vge.f32 v24, v27;
	v18 =	vcvt.f32.s32 v18;
	v37 =	vadd.s32 v26, v30  }
0x3c: {  	v38 =	vmul.f32 v38, v6;
	v24 =	vsel vm1, v2, v0;
	v27 =	vld.idx.msk [tilespmem:v19+s12+$0x0], $0xffff  }
0x3d: {  	v39 =	vsub.f32 v13, v5;
	v26 =	vld.idx.msk [tilespmem:v20+s12+$0x0], $0xffff;
	vm1 =	vge.f32 v25, v32;
	v30 =	vadd.s32 v29, v24  }
0x3e: {  	vm2 =	vge.f32 v33, v35;
	v25 =	vsub.f32 v16, v5;
	v24 =	vsel vm1, v2, v0;
	v29 =	vld.idx.msk [tilespmem:v21+s12+$0x0], $0xffff  }
0x3f: {  	v63 =	vsel vm2, v2, v0;
	v32 =	vsub.f32 v7, v5;
	v31 =	vadd.s32 v31, v24;
	v24 =	vld.idx.msk [tilespmem:v17+s12+$0x0], $0xffff  }
0x40: {  	v33 =	vmul.f32 v25, v6;
	vm1 =	vge.f32 v28, v34;
	v28 =	vmax.f32 v38, $0.0e+00;
	[tilespmem:v37+s17+$0x0] =	vst.idx.add.f32.msk $0xffff, v3  }
0x41: {  	s23 =	simm.s32 $0x8;
	v34 =	vmul.f32 v39, v6;
	v35 =	vtrunc.f32 v28;
	v28 =	vadd.s32 v36, v63;
	v25 =	vld.idx.msk [tilespmem:v18+s12+$0x0], $0xffff  }
.LBB2_5:
0x42: {  	s23 =	sadd.s32 $0x8, s23;
	v36 =	vsub.f32 v12, v5;
	v32 =	vmul.f32 v32, v6;
	v35 =	vcvt.f32.s32 v35;
	s22 =	sadd.s32 $0x80, s22;
	[tilespmem:v30+s17+$0x0] =	vst.idx.add.f32.msk $0xffff, v3  }
0x43: {  	v37 =	vsub.f32 v23, v5;
	v38 =	vsel vm1, v2, v0;
	v39 =	vmovc v23;
	v30 =	vld [tilespmem:s22+$0xFFFFFFE0];
	p0 =	slt.u32 s23, $0x7F8;
	v34 =	vmax.f32 v34, $0.0e+00  }
0x44: {  	v33 =	vmax.f32 v33, $0.0e+00;
	v38 =	vadd.s32 v22, v38;
	v23 =	vld [tilespmem:s22+$0xFFFFFFC0];
	v34 =	vtrunc.f32 v34  }
0x45: {  	vm1 =	vge.f32 v14, v27;
	v14 =	vmovc v12;
	v22 =	vmax.f32 v32, $0.0e+00;
	v34 =	vcvt.f32.s32 v34;
	[tilespmem:v31+s17+$0x0] =	vst.idx.add.f32.msk $0xffff, v3  }
0x46: {  	vm2 =	vge.f32 v11, v29;
	v11 =	vmovc v13;
	v37 =	vmul.f32 v37, v6;
	v31 =	vtrunc.f32 v22;
	v27 =	vld [tilespmem:s22+$0x30]  }
0x47: {  	vm3 =	vge.f32 v8, v26;
	v8 =	vmovc v7;
	v29 =	vmul.f32 v36, v6;
	v22 =	vtrunc.f32 v33;
	v7 =	vld [tilespmem:s22+$0x10]  }
0x48: {  	v32 =	vsel vm3, v2, v0;
	v26 =	vmax.f32 v37, $0.0e+00;
	v22 =	vcvt.f32.s32 v22;
	v13 =	vld [tilespmem:s22+$0xFFFFFFF0];
	v12 =	vmovc v30  }
0x49: {  	v29 =	vmax.f32 v29, $0.0e+00;
	v26 =	vtrunc.f32 v26;
	v30 =	vsub.f32 v23, v5;
	[tilespmem:v38+s17+$0x0] =	vst.idx.add.f32.msk $0xffff, v3  }
0x4a: {  	v36 =	vcvt.f32.s32 v26;
	v26 =	vtrunc.f32 v29;
	v29 =	vsel vm2, v2, v0;
	v33 =	vld [tilespmem:s22+$0x20]  }
0x4b: {  	v26 =	vcvt.f32.s32 v26;
	v37 =	vsub.f32 v27, v5;
	[tilespmem:v28+s17+$0x0] =	vst.idx.add.f32.msk $0xffff, v3;
	v28 =	vadd.s32 v21, v29  }
0x4c: {  	v32 =	vadd.s32 v20, v32;
	v40 =	vmul.f32 v30, v6;
	v30 =	vsel vm1, v2, v0;
	v29 =	vld.idx.msk [tilespmem:v35+s12+$0x0], $0xffff  }
0x4d: {  	vm1 =	vge.f32 v10, v24;
	v10 =	vmovc v23;
	v24 =	vadd.s32 v19, v30;
	v38 =	vld [tilespmem:s22+$0x0];
	v20 =	vmul.f32 v37, v6  }
0x4e: {  	v21 =	vmovc v34;
	v30 =	vsel vm1, v2, v0;
	vm1 =	vge.f32 v9, v25;
	v9 =	vmovc v27;
	v37 =	vmax.f32 v40, $0.0e+00;
	v23 =	vld [tilespmem:s22+$0xFFFFFFD0]  }
0x4f: {  	v19 =	vmovc v26;
	v25 =	vtrunc.f32 v37;
	v27 =	vmax.f32 v20, $0.0e+00;
	v34 =	vld.idx.msk [tilespmem:v22+s12+$0x0], $0xffff;
	v20 =	vcvt.f32.s32 v31  }
0x50: {  	v37 =	vadd.s32 v17, v30;
	v17 =	vcvt.f32.s32 v25;
	v26 =	vtrunc.f32 v27;
	v25 =	vld.idx.msk [tilespmem:v36+s12+$0x0], $0xffff  }
0x51: {  	v27 =	vsel vm1, v2, v0;
	v26 =	vcvt.f32.s32 v26;
	[tilespmem:v28+s17+$0x0] =	vst.idx.add.f32.msk $0xffff, v3  }
0x52: {  	v30 =	vadd.s32 v18, v27;
	[tilespmem:v24+s17+$0x0] =	vst.idx.add.f32.msk $0xffff, v3  }
0x53: {  	[tilespmem:v32+s17+$0x0] =	vst.idx.add.f32.msk $0xffff, v3;
	v18 =	vmov v26  }
0x54: {  	vm1 =	vge.f32 v15, v29;
	v15 =	vmov v33;
	v24 =	vsub.f32 v33, v5;
	v27 =	vld.idx.msk [tilespmem:v19+s12+$0x0], $0xffff  }
.Ltmp1:
0x55: {  	v28 =	vsel vm1, v2, v0;
	v32 =	vsub.f32 v7, v5;
	v26 =	vld.idx.msk [tilespmem:v20+s12+$0x0], $0xffff;
	(pc) =	sbr.rel @p0 .LBB2_5-.Ltmp1, $4  }
0x56: {  	v33 =	vsub.f32 v38, v5;
	v31 =	vadd.s32 v35, v28;
	v40 =	vmul.f32 v24, v6;
	v29 =	vld.idx.msk [tilespmem:v21+s12+$0x0], $0xffff  }
0x57: {  	v28 =	vsub.f32 v13, v5;
	vm1 =	vge.f32 v16, v34;
	vm2 =	vge.f32 v39, v25;
	v24 =	vld.idx.msk [tilespmem:v17+s12+$0x0], $0xffff  }
0x58: {  	v33 =	vmul.f32 v33, v6;
	v16 =	vmovc v38;
	v35 =	vmax.f32 v40, $0.0e+00;
	v39 =	vsel vm2, v2, v0;
	v25 =	vld.idx.msk [tilespmem:v18+s12+$0x0], $0xffff  }
0x59: {  	v34 =	vmul.f32 v28, v6;
	v35 =	vtrunc.f32 v35;
	v28 =	vadd.s32 v36, v39;
	[tilespmem:v37+s17+$0x0] =	vst.idx.add.f32.msk $0xffff, v3  }
0x5a: {  	v36 =	vsub.f32 v23, v5;
	v32 =	vmul.f32 v32, v6;
	v35 =	vcvt.f32.s32 v35  }
0x5b: {  	v37 =	vsel vm1, v2, v0;
	v33 =	vmax.f32 v33, $0.0e+00;
	v55 =	vsub.f32 v12, v5  }
0x5c: {  	vm1 =	vge.f32 v14, v27;
	vm3 =	vge.f32 v8, v26;
	v34 =	vmax.f32 v34, $0.0e+00  }
0x5d: {  	v22 =	vadd.s32 v22, v37;
	v33 =	vtrunc.f32 v33;
	v36 =	vmul.f32 v36, v6  }
0x5e: {  	[tilespmem:v30+s17+$0x0] =	vst.idx.add.f32.msk $0xffff, v3;
	vm2 =	vge.f32 v11, v29;
	v34 =	vtrunc.f32 v34;
	v30 =	vcvt.f32.s32 v33  }
0x5f: {  	v14 =	vmul.f32 v55, v6;
	v8 =	vsel vm2, v2, v0;
	v36 =	vmax.f32 v36, $0.0e+00  }
0x60: {  	[tilespmem:v31+s17+$0x0] =	vst.idx.add.f32.msk $0xffff, v3;
	v8 =	vadd.s32 v21, v8;
	v21 =	vsel vm1, v2, v0;
	v56 =	vtrunc.f32 v36  }
0x61: {  	[tilespmem:v28+s17+$0x0] =	vst.idx.add.f32.msk $0xffff, v3;
	v14 =	vmax.f32 v14, $0.0e+00;
	v19 =	vadd.s32 v19, v21;
	v11 =	vcvt.f32.s32 v56  }
0x62: {  	v26 =	vcvt.f32.s32 v34;
	v21 =	vmax.f32 v32, $0.0e+00;
	v14 =	vtrunc.f32 v14;
	[tilespmem:v22+s17+$0x0] =	vst.idx.add.f32.msk $0xffff, v3  }
0x63: {  	v21 =	vtrunc.f32 v21;
	v22 =	vsel vm3, v2, v0;
	v27 =	vld.idx.msk [tilespmem:v35+s12+$0x0], $0xffff;
	v14 =	vcvt.f32.s32 v14  }
0x64: {  	v21 =	vcvt.f32.s32 v21;
	v20 =	vadd.s32 v20, v22;
	v22 =	vld.idx.msk [tilespmem:v30+s12+$0x0], $0xffff  }
0x65: {  	vm1 =	vge.f32 v10, v24;
	[tilespmem:v8+s17+$0x0] =	vst.idx.add.f32.msk $0xffff, v3  }
0x66: {  	v8 =	vsel vm1, v2, v0;
	[tilespmem:v19+s17+$0x0] =	vst.idx.add.f32.msk $0xffff, v3  }
0x67: {  	v8 =	vadd.s32 v17, v8;
	v28 =	vld.idx.msk [tilespmem:v11+s12+$0x0], $0xffff  }
0x68: {  	vm1 =	vge.f32 v9, v25;
	v9 =	vld.idx.msk [tilespmem:v26+s12+$0x0], $0xffff  }
0x69: {  	v10 =	vsel vm1, v2, v0;
	vm1 =	vge.f32 v15, v27;
	v17 =	vld.idx.msk [tilespmem:v14+s12+$0x0], $0xffff  }
0x6a: {  	v10 =	vadd.s32 v18, v10;
	v15 =	vld.idx.msk [tilespmem:v21+s12+$0x0], $0xffff;
	v18 =	vsel vm1, v2, v0  }
0x6b: {  	[tilespmem:v20+s17+$0x0] =	vst.idx.add.f32.msk $0xffff, v3;
	vm2 =	vge.f32 v16, v22;
	v16 =	vadd.s32 v35, v18  }
0x6c: {  	v19 =	vsel vm2, v2, v0;
	[tilespmem:v8+s17+$0x0] =	vst.idx.add.f32.msk $0xffff, v3;
	vm1 =	vge.f32 v23, v28  }
0x6d: {  	v8 =	vadd.s32 v30, v19;
	v18 =	vsel vm1, v2, v0;
	vm1 =	vge.f32 v13, v9  }
0x6e: {  	vm2 =	vge.f32 v12, v17;
	v9 =	vadd.s32 v11, v18;
	v11 =	vsel vm1, v2, v0  }
0x6f: {  	vm1 =	vge.f32 v7, v15;
	v7 =	vadd.s32 v26, v11;
	v11 =	vsel vm2, v2, v0  }
0x70: {  	[tilespmem:v10+s17+$0x0] =	vst.idx.add.f32.msk $0xffff, v3;
	v10 =	vsel vm1, v2, v0;
	v11 =	vadd.s32 v14, v11  }
0x71: {  	[tilespmem:v16+s17+$0x0] =	vst.idx.add.f32.msk $0xffff, v3;
	v10 =	vadd.s32 v21, v10  }
0x72: {  	[tilespmem:v8+s17+$0x0] =	vst.idx.add.f32.msk $0xffff, v3  }
0x73: {  	s22 =	sshll.u32 s21, $0x10;
	p0 =	seq.s32 s21, $0x7;
	[tilespmem:v9+s17+$0x0] =	vst.idx.add.f32.msk $0xffff, v3  }
0x74: {  	s23 =	sadd.s32 @!p0 s22, s8;
	[tilespmem:v7+s17+$0x0] =	vst.idx.add.f32.msk $0xffff, v3  }
0x75: {  	s23 =	sshrl.u32 @!p0 s23, $0x3;
	[tilespmem:v11+s17+$0x0] =	vst.idx.add.f32.msk $0xffff, v3  }
0x76: {  	s24 =	simm.s32 @!p0 $0x0;
	s23 =	sadd.s32 @!p0 s1, s23;
	[tilespmem:v10+s17+$0x0] =	vst.idx.add.f32.msk $0xffff, v3  }
0x77: {  	[tilespmem:s24], [sflag:$0x1] =	stream.linear.gather @!p0 [hbm4b:s23+s24], $0x8000, $0x38;
	[tilespmem:$0x11380] =	vst v63  }
0x78: {  	_ =	swait.ge [sflag:s18], $0x8000  }
0x79: {  	[sflag:s18] =	ssyncset.done $0x0  }
0x7a: {  	s31 =	simm.s32 $0x8040;
	[sflag:s18] =	ssyncadd.s32 $0xFFFF8000  }
0x7b: {  	v17 =	vld [tilespmem:s31+$0xFFFFFFC0]  }
0x7c: {  	v24 =	vld [tilespmem:s31+$0x30]  }
0x7d: {  	v57 =	vld [tilespmem:s31+$0xFFFFFFD0]  }
0x7e: {  	v25 =	vld [tilespmem:s31+$0x20];
	_ =	sdelay $0x2  }
0x7f: {  	v7 =	vsub.f32 v17, v5  }
0x80: {  	v28 =	vld [tilespmem:s31+$0x0];
	v9 =	vsub.f32 v24, v5;
	v15 =	vsub.f32 v57, v5  }
0x81: {  	v11 =	vld [tilespmem:s31+$0xFFFFFFF0];
	v10 =	vsub.f32 v25, v5;
	v7 =	vmul.f32 v7, v6  }
0x82: {  	v8 =	vld [tilespmem:s31+$0x10];
	v9 =	vmul.f32 v9, v6;
	v15 =	vmul.f32 v15, v6  }
0x83: {  	v10 =	vmul.f32 v10, v6;
	v7 =	vmax.f32 v7, $0.0e+00  }
0x84: {  	v14 =	vld [tilespmem:s31+$0xFFFFFFE0];
	v9 =	vmax.f32 v9, $0.0e+00;
	v15 =	vmax.f32 v15, $0.0e+00;
	v7 =	vtrunc.f32 v7  }
0x85: {  	v26 =	vcvt.f32.s32 v7;
	v7 =	vtrunc.f32 v9;
	v9 =	vsub.f32 v28, v5  }
0x86: {  	s23 =	simm.s32 $0x80C0;
	v12 =	vsub.f32 v11, v5;
	v15 =	vtrunc.f32 v15;
	v29 =	vcvt.f32.s32 v7  }
0x87: {  	v7 =	vsub.f32 v8, v5;
	v13 =	vmul.f32 v9, v6;
	v9 =	vmax.f32 v10, $0.0e+00;
	v10 =	vld [tilespmem:s23+$0xFFFFFFC0]  }
0x88: {  	v16 =	vmul.f32 v12, v6;
	v58 =	vcvt.f32.s32 v15  }
0x89: {  	v18 =	vsub.f32 v14, v5;
	v7 =	vmul.f32 v7, v6;
	v12 =	vtrunc.f32 v9;
	v9 =	vld [tilespmem:s23+$0x30]  }
0x8a: {  	v15 =	vld [tilespmem:s23+$0x20];
	v31 =	vcvt.f32.s32 v12  }
0x8b: {  	v12 =	vmax.f32 v13, $0.0e+00;
	v13 =	vmul.f32 v18, v6;
	v7 =	vmax.f32 v7, $0.0e+00;
	v23 =	vld.idx.msk [tilespmem:v26+s12+$0x0], $0xffff  }
0x8c: {  	v20 =	vtrunc.f32 v7;
	v7 =	vtrunc.f32 v12;
	v12 =	vld [tilespmem:s23+$0xFFFFFFE0];
	v18 =	vsub.f32 v10, v5  }
0x8d: {  	v16 =	vmax.f32 v16, $0.0e+00;
	v19 =	vmax.f32 v13, $0.0e+00;
	v13 =	vld [tilespmem:s23+$0xFFFFFFF0];
	v22 =	vcvt.f32.s32 v7  }
0x8e: {  	v61 =	vld.idx.msk [tilespmem:v58+s12+$0x0], $0xffff;
	v19 =	vtrunc.f32 v19;
	v21 =	vsub.f32 v9, v5;
	v18 =	vmul.f32 v18, v6  }
0x8f: {  	v16 =	vtrunc.f32 v16;
	v27 =	vld.idx.msk [tilespmem:v29+s12+$0x0], $0xffff;
	v19 =	vcvt.f32.s32 v19  }
0x90: {  	v7 =	vld [tilespmem:s23+$0x10];
	v20 =	vcvt.f32.s32 v20;
	v30 =	vmul.f32 v21, v6;
	v18 =	vmax.f32 v18, $0.0e+00  }
0x91: {  	v59 =	vld.idx.msk [tilespmem:v31+s12+$0x0], $0xffff;
	v21 =	vcvt.f32.s32 v16;
	v18 =	vtrunc.f32 v18  }
0x92: {  	v16 =	vld [tilespmem:s23+$0x0];
	vm1 =	vge.f32 v17, v23;
	v30 =	vmax.f32 v30, $0.0e+00;
	v17 =	vcvt.f32.s32 v18  }
0x93: {  	v38 =	vsub.f32 v15, v5;
	v23 =	vld [tilespmem:s23+$0xFFFFFFD0];
	v18 =	vtrunc.f32 v30;
	v30 =	vsel vm1, v2, v0  }
0x94: {  	v60 =	vld.idx.msk [tilespmem:v22+s12+$0x0], $0xffff;
	vm1 =	vge.f32 v24, v27;
	v18 =	vcvt.f32.s32 v18;
	v62 =	vadd.s32 v26, v30  }
0x95: {  	v38 =	vmul.f32 v38, v6;
	v24 =	vsel vm1, v2, v0;
	v27 =	vld.idx.msk [tilespmem:v19+s12+$0x0], $0xffff  }
0x96: {  	v39 =	vsub.f32 v13, v5;
	v26 =	vld.idx.msk [tilespmem:v20+s12+$0x0], $0xffff;
	vm1 =	vge.f32 v25, v59;
	v30 =	vadd.s32 v29, v24  }
0x97: {  	vm2 =	vge.f32 v57, v61;
	v32 =	vsub.f32 v7, v5;
	v24 =	vsel vm1, v2, v0;
	v29 =	vld.idx.msk [tilespmem:v21+s12+$0x0], $0xffff  }
0x98: {  	v63 =	vsel vm2, v2, v0;
	v25 =	vsub.f32 v16, v5;
	v31 =	vadd.s32 v31, v24;
	v24 =	vld.idx.msk [tilespmem:v17+s12+$0x0], $0xffff  }
0x99: {  	v34 =	vmul.f32 v39, v6;
	vm1 =	vge.f32 v28, v60;
	v28 =	vmax.f32 v38, $0.0e+00;
	[tilespmem:v62+s17+$0x0] =	vst.idx.add.f32.msk $0xffff, v3  }
0x9a: {  	s24 =	simm.s32 $0x8;
	v33 =	vmul.f32 v25, v6;
	v35 =	vtrunc.f32 v28;
	v28 =	vadd.s32 v58, v63;
	v25 =	vld.idx.msk [tilespmem:v18+s12+$0x0], $0xffff  }
.LBB2_7:
0x9b: {  	s24 =	sadd.s32 $0x8, s24;
	v36 =	vsub.f32 v12, v5;
	v32 =	vmul.f32 v32, v6;
	v35 =	vcvt.f32.s32 v35;
	s23 =	sadd.s32 $0x80, s23;
	[tilespmem:v30+s17+$0x0] =	vst.idx.add.f32.msk $0xffff, v3  }
0x9c: {  	v37 =	vsub.f32 v23, v5;
	v38 =	vsel vm1, v2, v0;
	v39 =	vmovc v23;
	v30 =	vld [tilespmem:s23+$0xFFFFFFE0];
	p1 =	slt.u32 s24, $0x7F8;
	v34 =	vmax.f32 v34, $0.0e+00  }
0x9d: {  	v33 =	vmax.f32 v33, $0.0e+00;
	v38 =	vadd.s32 v22, v38;
	v23 =	vld [tilespmem:s23+$0xFFFFFFC0];
	v34 =	vtrunc.f32 v34  }
0x9e: {  	vm1 =	vge.f32 v14, v27;
	v14 =	vmovc v12;
	v22 =	vmax.f32 v32, $0.0e+00;
	v34 =	vcvt.f32.s32 v34;
	[tilespmem:v31+s17+$0x0] =	vst.idx.add.f32.msk $0xffff, v3  }
0x9f: {  	vm2 =	vge.f32 v11, v29;
	v11 =	vmovc v13;
	v37 =	vmul.f32 v37, v6;
	v31 =	vtrunc.f32 v22;
	v27 =	vld [tilespmem:s23+$0x30]  }
0xa0: {  	vm3 =	vge.f32 v8, v26;
	v8 =	vmovc v7;
	v29 =	vmul.f32 v36, v6;
	v22 =	vtrunc.f32 v33;
	v7 =	vld [tilespmem:s23+$0x10]  }
0xa1: {  	v32 =	vsel vm3, v2, v0;
	v26 =	vmax.f32 v37, $0.0e+00;
	v22 =	vcvt.f32.s32 v22;
	v13 =	vld [tilespmem:s23+$0xFFFFFFF0];
	v12 =	vmovc v30  }
0xa2: {  	v29 =	vmax.f32 v29, $0.0e+00;
	v26 =	vtrunc.f32 v26;
	v30 =	vsub.f32 v23, v5;
	[tilespmem:v38+s17+$0x0] =	vst.idx.add.f32.msk $0xffff, v3  }
0xa3: {  	v36 =	vcvt.f32.s32 v26;
	v26 =	vtrunc.f32 v29;
	v29 =	vsel vm2, v2, v0;
	v33 =	vld [tilespmem:s23+$0x20]  }
0xa4: {  	v26 =	vcvt.f32.s32 v26;
	v37 =	vsub.f32 v27, v5;
	[tilespmem:v28+s17+$0x0] =	vst.idx.add.f32.msk $0xffff, v3;
	v28 =	vadd.s32 v21, v29  }
0xa5: {  	v32 =	vadd.s32 v20, v32;
	v40 =	vmul.f32 v30, v6;
	v30 =	vsel vm1, v2, v0;
	v29 =	vld.idx.msk [tilespmem:v35+s12+$0x0], $0xffff  }
0xa6: {  	vm1 =	vge.f32 v10, v24;
	v10 =	vmovc v23;
	v24 =	vadd.s32 v19, v30;
	v38 =	vld [tilespmem:s23+$0x0];
	v20 =	vmul.f32 v37, v6  }
0xa7: {  	v21 =	vmovc v34;
	v30 =	vsel vm1, v2, v0;
	vm1 =	vge.f32 v9, v25;
	v9 =	vmovc v27;
	v37 =	vmax.f32 v40, $0.0e+00;
	v23 =	vld [tilespmem:s23+$0xFFFFFFD0]  }
0xa8: {  	v19 =	vmovc v26;
	v25 =	vtrunc.f32 v37;
	v27 =	vmax.f32 v20, $0.0e+00;
	v34 =	vld.idx.msk [tilespmem:v22+s12+$0x0], $0xffff;
	v20 =	vcvt.f32.s32 v31  }
0xa9: {  	v37 =	vadd.s32 v17, v30;
	v17 =	vcvt.f32.s32 v25;
	v26 =	vtrunc.f32 v27;
	v25 =	vld.idx.msk [tilespmem:v36+s12+$0x0], $0xffff  }
0xaa: {  	v27 =	vsel vm1, v2, v0;
	v26 =	vcvt.f32.s32 v26;
	[tilespmem:v28+s17+$0x0] =	vst.idx.add.f32.msk $0xffff, v3  }
0xab: {  	v30 =	vadd.s32 v18, v27;
	[tilespmem:v24+s17+$0x0] =	vst.idx.add.f32.msk $0xffff, v3  }
0xac: {  	[tilespmem:v32+s17+$0x0] =	vst.idx.add.f32.msk $0xffff, v3;
	v18 =	vmov v26  }
0xad: {  	vm1 =	vge.f32 v15, v29;
	v15 =	vmov v33;
	v24 =	vsub.f32 v33, v5;
	v27 =	vld.idx.msk [tilespmem:v19+s12+$0x0], $0xffff  }
.Ltmp2:
0xae: {  	v28 =	vsel vm1, v2, v0;
	v32 =	vsub.f32 v7, v5;
	v26 =	vld.idx.msk [tilespmem:v20+s12+$0x0], $0xffff;
	(pc) =	sbr.rel @p1 .LBB2_7-.Ltmp2, $4  }
0xaf: {  	v33 =	vsub.f32 v38, v5;
	v31 =	vadd.s32 v35, v28;
	v40 =	vmul.f32 v24, v6;
	v29 =	vld.idx.msk [tilespmem:v21+s12+$0x0], $0xffff  }
0xb0: {  	v28 =	vsub.f32 v13, v5;
	vm1 =	vge.f32 v16, v34;
	vm2 =	vge.f32 v39, v25;
	v24 =	vld.idx.msk [tilespmem:v17+s12+$0x0], $0xffff  }
0xb1: {  	v33 =	vmul.f32 v33, v6;
	v16 =	vmovc v38;
	v35 =	vmax.f32 v40, $0.0e+00;
	v39 =	vsel vm2, v2, v0;
	v25 =	vld.idx.msk [tilespmem:v18+s12+$0x0], $0xffff  }
0xb2: {  	v34 =	vmul.f32 v28, v6;
	v35 =	vtrunc.f32 v35;
	v28 =	vadd.s32 v36, v39;
	[tilespmem:v37+s17+$0x0] =	vst.idx.add.f32.msk $0xffff, v3  }
0xb3: {  	_ = 	snop  }
0xb4: {  	v36 =	vsub.f32 v23, v5;
	v32 =	vmul.f32 v32, v6  }
0xb5: {  	v35 =	vcvt.f32.s32 v35;
	v37 =	vsel vm1, v2, v0;
	v33 =	vmax.f32 v33, $0.0e+00  }
0xb6: {  	v40 =	vsub.f32 v12, v5;
	vm1 =	vge.f32 v14, v27;
	vm3 =	vge.f32 v8, v26  }
0xb7: {  	[tilespmem:v30+s17+$0x0] =	vst.idx.add.f32.msk $0xffff, v3;
	v34 =	vmax.f32 v34, $0.0e+00;
	v22 =	vadd.s32 v22, v37;
	v33 =	vtrunc.f32 v33  }
0xb8: {  	vm2 =	vge.f32 v11, v29;
	v46 =	vsel vm1, v2, v0;
	v36 =	vmul.f32 v36, v6  }
0xb9: {  	v47 =	vsel vm3, v2, v0;
	v44 =	vmul.f32 v40, v6;
	v19 =	vadd.s32 v19, v46  }
0xba: {  	[tilespmem:v31+s17+$0x0] =	vst.idx.add.f32.msk $0xffff, v3;
	v41 =	vcvt.f32.s32 v33;
	v20 =	vadd.s32 v20, v47;
	v36 =	vmax.f32 v36, $0.0e+00  }
0xbb: {  	[tilespmem:v28+s17+$0x0] =	vst.idx.add.f32.msk $0xffff, v3;
	v8 =	vsel vm2, v2, v0;
	v14 =	vmax.f32 v44, $0.0e+00;
	v42 =	vtrunc.f32 v36  }
0xbc: {  	v8 =	vadd.s32 v21, v8;
	v14 =	vtrunc.f32 v14;
	v43 =	vcvt.f32.s32 v42;
	[tilespmem:v22+s17+$0x0] =	vst.idx.add.f32.msk $0xffff, v3  }
0xbd: {  	v34 =	vtrunc.f32 v34;
	v48 =	vmax.f32 v32, $0.0e+00;
	v49 =	vld.idx.msk [tilespmem:v35+s12+$0x0], $0xffff;
	v14 =	vcvt.f32.s32 v14  }
0xbe: {  	v45 =	vcvt.f32.s32 v34;
	v21 =	vtrunc.f32 v48;
	[tilespmem:v19+s17+$0x0] =	vst.idx.add.f32.msk $0xffff, v3  }
0xbf: {  	v21 =	vcvt.f32.s32 v21;
	[tilespmem:v20+s17+$0x0] =	vst.idx.add.f32.msk $0xffff, v3  }
0xc0: {  	vm1 =	vge.f32 v10, v24;
	v50 =	vld.idx.msk [tilespmem:v41+s12+$0x0], $0xffff  }
0xc1: {  	[tilespmem:v8+s17+$0x0] =	vst.idx.add.f32.msk $0xffff, v3;
	v8 =	vsel vm1, v2, v0  }
0xc2: {  	v8 =	vadd.s32 v17, v8;
	v51 =	vld.idx.msk [tilespmem:v43+s12+$0x0], $0xffff  }
0xc3: {  	vm1 =	vge.f32 v9, v25;
	v54 =	vld.idx.msk [tilespmem:v14+s12+$0x0], $0xffff  }
0xc4: {  	v52 =	vld.idx.msk [tilespmem:v45+s12+$0x0], $0xffff;
	v53 =	vsel vm1, v2, v0;
	vm1 =	vge.f32 v15, v49  }
0xc5: {  	v55 =	vld.idx.msk [tilespmem:v21+s12+$0x0], $0xffff;
	v56 =	vsel vm1, v2, v0  }
0xc6: {  	v10 =	vadd.s32 v18, v53;
	vm2 =	vge.f32 v16, v50;
	v57 =	vadd.s32 v35, v56  }
0xc7: {  	v59 =	vsel vm2, v2, v0;
	[tilespmem:v8+s17+$0x0] =	vst.idx.add.f32.msk $0xffff, v3;
	vm1 =	vge.f32 v23, v51  }
0xc8: {  	v8 =	vadd.s32 v41, v59;
	vm2 =	vge.f32 v12, v54;
	v58 =	vsel vm1, v2, v0  }
0xc9: {  	vm1 =	vge.f32 v13, v52;
	v62 =	vsel vm2, v2, v0;
	v60 =	vadd.s32 v43, v58  }
0xca: {  	v61 =	vsel vm1, v2, v0;
	vm1 =	vge.f32 v7, v55;
	v11 =	vadd.s32 v14, v62  }
0xcb: {  	[tilespmem:v10+s17+$0x0] =	vst.idx.add.f32.msk $0xffff, v3;
	v7 =	vadd.s32 v45, v61;
	v63 =	vsel vm1, v2, v0  }
0xcc: {  	[tilespmem:v57+s17+$0x0] =	vst.idx.add.f32.msk $0xffff, v3;
	v10 =	vadd.s32 v21, v63  }
.Ltmp3:
0xcd: {  	[tilespmem:v8+s17+$0x0] =	vst.idx.add.f32.msk $0xffff, v3;
	(pc) =	sbr.rel @p0 .LBB2_10-.Ltmp3, $4  }
0xce: {  	[tilespmem:v60+s17+$0x0] =	vst.idx.add.f32.msk $0xffff, v3  }
0xcf: {  	[tilespmem:v11+s17+$0x0] =	vst.idx.add.f32.msk $0xffff, v3  }
0xd0: {  	[tilespmem:v7+s17+$0x0] =	vst.idx.add.f32.msk $0xffff, v3  }
0xd1: {  	[tilespmem:v10+s17+$0x0] =	vst.idx.add.f32.msk $0xffff, v3  }
.Ltmp4:
0xd2: {  	(pc) =	sbr.rel .LBB2_4-.Ltmp4, $4  }
0xd3: {  	s22 =	sadd.s32 s22, s9  }
0xd4: {  	s22 =	sshrl.u32 s22, $0x3  }
0xd5: {  	s21 =	sadd.s32 $0x1, s21;
	s22 =	sadd.s32 s1, s22  }
0xd6: {  	[tilespmem:s15], [sflag:$0x2] =	stream.linear.gather [hbm4b:s22+s3], $0x8000, $0x38;
	[tilespmem:$0x11380] =	vst v63  }
.LBB2_10:
0xd7: {  	s22 =	simm.s32 $0x0  }
0xd8: {  	v5 =	vld [tilespmem:s22+$0x10200]  }
0xd9: {  	v6 =	vld [tilespmem:s22+$0x10301];
	_ =	sdelay $0x1  }
0xda: {  	v7 =	vld [tilespmem:s22+$0x10402];
	_ =	sdelay $0x1  }
0xdb: {  	v8 =	vld [tilespmem:s22+$0x10503]  }
0xdc: {  	v5 =	vadd.f32 v6, v5  }
0xdd: {  	v6 =	vld [tilespmem:s22+$0x10604]  }
0xde: {  	v5 =	vadd.f32 v7, v5  }
0xdf: {  	v7 =	vld [tilespmem:s22+$0x10705]  }
0xe0: {  	v5 =	vadd.f32 v8, v5  }
0xe1: {  	v8 =	vld [tilespmem:s22+$0x10806]  }
0xe2: {  	v5 =	vadd.f32 v6, v5  }
0xe3: {  	v6 =	vld [tilespmem:s22+$0x10907]  }
0xe4: {  	s21 =	simm.s32 $0x10;
	v9 =	vld [tilespmem:s22+$0x10A08];
	v5 =	vadd.f32 v7, v5  }
0xe5: {  	v10 =	vld [tilespmem:s21+$0x10200]  }
0xe6: {  	v7 =	vld [tilespmem:s22+$0x10B09];
	v5 =	vadd.f32 v8, v5  }
0xe7: {  	v8 =	vld [tilespmem:s21+$0x10301]  }
0xe8: {  	v11 =	vld [tilespmem:s21+$0x10402];
	v5 =	vadd.f32 v6, v5  }
0xe9: {  	v6 =	vld [tilespmem:s22+$0x10C0A]  }
0xea: {  	v12 =	vld [tilespmem:s21+$0x10503];
	v5 =	vadd.f32 v9, v5  }
0xeb: {  	v9 =	vld [tilespmem:s22+$0x10D0B]  }
0xec: {  	v8 =	vadd.f32 v8, v10;
	v10 =	vld [tilespmem:s21+$0x10604];
	v5 =	vadd.f32 v7, v5  }
0xed: {  	v7 =	vld [tilespmem:s22+$0x10E0C]  }
0xee: {  	v8 =	vadd.f32 v11, v8;
	v11 =	vld [tilespmem:s21+$0x10705];
	v5 =	vadd.f32 v6, v5  }
0xef: {  	v6 =	vld [tilespmem:s22+$0x10F0D]  }
0xf0: {  	v63 =	vld [tilespmem:s22+$0x1100E];
	v8 =	vadd.f32 v12, v8;
	v5 =	vadd.f32 v9, v5  }
0xf1: {  	v13 =	vld [tilespmem:s21+$0x10806]  }
0xf2: {  	v9 =	vadd.f32 v10, v8;
	v8 =	vld [tilespmem:s21+$0x10907];
	v10 =	vadd.f32 v7, v5  }
0xf3: {  	v7 =	vld [tilespmem:s22+$0x1110F]  }
0xf4: {  	v5 =	vld [tilespmem:s21+$0x10B09];
	v11 =	vadd.f32 v11, v9;
	v14 =	vadd.f32 v6, v10  }
0xf5: {  	s23 =	simm.s32 $0x20;
	v9 =	vld [tilespmem:s21+$0x10A08]  }
0xf6: {  	s24 =	simm.s32 $0xC0;
	v6 =	vld [tilespmem:s23+$0x10200];
	v10 =	vadd.f32 v13, v11;
	v11 =	vadd.f32 v63, v14  }
.LBB2_11:
0xf7: {  	p0 =	sne.s32 s24, $0x3C0;
	v12 =	vld [tilespmem:s23+$0x10301]  }
0xf8: {  	v8 =	vadd.f32 v8, v10;
	v10 =	vld [tilespmem:s21+$0x10C0A];
	v7 =	vadd.f32 v7, v11  }
0xf9: {  	v11 =	vld [tilespmem:s23+$0x10402]  }
0xfa: {  	v8 =	vadd.f32 v9, v8;
	v9 =	vld [tilespmem:s21+$0x10D0B];
	[tilespmem:s22+$0x11280] =	vst v7;
	s22 =	smov.u32 s21;
	s21 =	smov.u32 s23  }
0xfb: {  	v7 =	vld [tilespmem:s21+$0x10503]  }
0xfc: {  	v6 =	vadd.f32 v12, v6;
	v5 =	vadd.f32 v5, v8;
	v8 =	vld [tilespmem:s22+$0x10E0C]  }
0xfd: {  	v12 =	vld [tilespmem:s21+$0x10604]  }
0xfe: {  	v6 =	vadd.f32 v11, v6;
	v5 =	vadd.f32 v10, v5;
	v10 =	vld [tilespmem:s22+$0x10F0D]  }
0xff: {  	v11 =	vld [tilespmem:s21+$0x10705]  }
0x100: {  	v6 =	vadd.f32 v7, v6;
	v5 =	vadd.f32 v9, v5;
	v13 =	vld [tilespmem:s22+$0x1100E]  }
0x101: {  	v14 =	vld [tilespmem:s21+$0x10806]  }
.Ltmp5:
0x102: {  	v6 =	vadd.f32 v12, v6;
	v9 =	vadd.f32 v8, v5;
	v7 =	vld [tilespmem:s22+$0x1110F];
	(pc) =	sbr.rel @p0 .LBB2_11-.Ltmp5, $4  }
0x103: {  	v8 =	vld [tilespmem:s21+$0x10907]  }
0x104: {  	v11 =	vadd.f32 v11, v6;
	v5 =	vld [tilespmem:s21+$0x10B09];
	v12 =	vadd.f32 v10, v9  }
0x105: {  	s23 =	sshra.s32 s24, $0x2;
	v9 =	vld [tilespmem:s21+$0x10A08]  }
0x106: {  	s24 =	sadd.s32 $0x40, s24;
	v6 =	vld [tilespmem:s23+$0x10200];
	v10 =	vadd.f32 v14, v11;
	v11 =	vadd.f32 v13, v12  }
0x107: {  	v12 =	vld [tilespmem:s23+$0x10301]  }
0x108: {  	v13 =	vld [tilespmem:s21+$0x10C0A];
	v7 =	vadd.f32 v7, v11  }
0x109: {  	v52 =	vld [tilespmem:s23+$0x10402]  }
0x10a: {  	v14 =	vld [tilespmem:s21+$0x10D0B];
	v8 =	vadd.f32 v8, v10;
	[tilespmem:s22+$0x11280] =	vst v7  }
0x10b: {  	v7 =	vld [tilespmem:s23+$0x10503]  }
0x10c: {  	v8 =	vadd.f32 v9, v8;
	v6 =	vadd.f32 v12, v6  }
0x10d: {  	v53 =	vld [tilespmem:s23+$0x10604]  }
0x10e: {  	v54 =	vld [tilespmem:s21+$0x10E0C];
	v5 =	vadd.f32 v5, v8;
	v6 =	vadd.f32 v52, v6  }
0x10f: {  	v55 =	vld [tilespmem:s23+$0x10705]  }
0x110: {  	v56 =	vld [tilespmem:s21+$0x10F0D];
	v5 =	vadd.f32 v13, v5;
	v6 =	vadd.f32 v7, v6  }
0x111: {  	v7 =	vld [tilespmem:s23+$0x10806]  }
0x112: {  	v57 =	vld [tilespmem:s21+$0x1100E];
	v5 =	vadd.f32 v14, v5;
	v6 =	vadd.f32 v53, v6  }
0x113: {  	v58 =	vld [tilespmem:s23+$0x10907]  }
0x114: {  	v59 =	vld [tilespmem:s21+$0x1110F];
	v5 =	vadd.f32 v54, v5;
	v6 =	vadd.f32 v55, v6  }
0x115: {  	v60 =	vld [tilespmem:s23+$0x10A08]  }
0x116: {  	v5 =	vadd.f32 v56, v5;
	v6 =	vadd.f32 v7, v6  }
0x117: {  	v7 =	vld [tilespmem:s23+$0x10B09]  }
0x118: {  	v5 =	vadd.f32 v57, v5;
	v6 =	vadd.f32 v58, v6  }
0x119: {  	v61 =	vld [tilespmem:s23+$0x10C0A]  }
0x11a: {  	v5 =	vadd.f32 v59, v5;
	v6 =	vadd.f32 v60, v6  }
0x11b: {  	v62 =	vld [tilespmem:s23+$0x10D0B]  }
0x11c: {  	[tilespmem:s21+$0x11280] =	vst v5;
	v5 =	vadd.f32 v7, v6  }
0x11d: {  	v6 =	vld [tilespmem:s23+$0x10E0C]  }
0x11e: {  	v5 =	vadd.f32 v61, v5  }
0x11f: {  	v7 =	vld [tilespmem:s23+$0x10F0D]  }
0x120: {  	v5 =	vadd.f32 v62, v5  }
0x121: {  	v63 =	vld [tilespmem:s23+$0x1100E]  }
0x122: {  	v5 =	vadd.f32 v6, v5  }
0x123: {  	v6 =	vld [tilespmem:s23+$0x1110F]  }
0x124: {  	v5 =	vadd.f32 v7, v5;
	_ =	sdelay $0x1  }
0x125: {  	v5 =	vadd.f32 v63, v5;
	_ =	sdelay $0x1  }
0x126: {  	v5 =	vadd.f32 v6, v5;
	_ =	sdelay $0x1  }
0x127: {  	[tilespmem:s23+$0x11280] =	vst v5  }
0x128: {  	v5 =	vld.idx.msk [tilespmem:v4+s17+$0x0], $0xffff;
	_ =	sdelay $0x4  }
0x129: {  	(xrf2) =	vadd.scan.msk.f32 $0xffff, v5;
	_ =	sdelay $0x6  }
0x12a: {  	v5 =	vld [tilespmem:$0x11370];
	_ =	sdelay $0x2  }
0x12b: {  	v6, _, _ =	vpop (xrf2)  }
0x12c: {  	v6 =	vsel vm0, $0x0, v6  }
0x12d: {  	s20 =	sadd.s32 $0x1, s20;
	v5 =	vadd.f32 v6, v5  }
0x12e: {  	p0 =	sne.s32 s20, s11  }
.Ltmp6:
0x12f: {  	[tilespmem:$0x11370] =	vst v5;
	(pc) =	sbr.rel @p0 .LBB2_1-.Ltmp6, $4  }
0x130: {  	[hbm4b:s10+s3] =	stream.linear.scatter [tilespmem:s19], [sflag:$0x3], $0x100, $0x38;
	[tilespmem:$0x11380] =	vst v63  }
0x131: {  	_ =	swait.ge [sflag:s13], $0x100  }
0x132: {  	[sflag:s13] =	ssyncset.done $0x0  }
0x133: {  	[sflag:s13] =	ssyncadd.s32 $0xFFFFFF00  }
0x134: {  	_ =	sfence.sel $0x180000  }
0x135: {  	[bflag:$0x0] =	sbarrier.arrive $0xFFFF  }
0x136: {  	p0 =	sne.s32 s2, $0x0;
	_ =	strace $0x9000004A  }
0x137: {  	s0 =	sadd.s32 @!p0 $0x100000, s0;
	[bflag:$0x2] =	sbarrier.arrive $0xFFFF  }
0x138: {  	[sflag:s0] =	ssyncadd.tile.s32 @!p0 $0x1;
	_ =	shalt  }
.Lfunc_end2:
_tile_overlayer_lowered:
.L_overlay_start_2:
0x139: {  	(tag) =	ssettag $0x2  }
0x13a: {  	s0 =	rddreg [dreg:$0x0];
	s2 =	stileid.u32  }
0x13b: {  	s1 =	rddreg [dreg:$0x1];
	p0 =	sne.s32 s2, $0x0  }
0x13c: {  	s3 =	rddreg [dreg:$0x2];
	[bflag:$0x3] =	sbarrier.arrive $0xFFFF;
	s2 =	simm.s32 @!p0 $0x1C03  }
0x13d: {  	[timem:s3], [sflag:s2] =	dma.local @!p0 [hbm:s0], s1  }
0x13e: {  	s0 =	simm.s32 @!p0 $0x3  }
0x13f: {  	_ =	swait.ge @!p0 [sflag:s0], s1  }
0x140: {  	s1 =	ssub.s32 @!p0 $0x0, s1;
	[sflag:s0] =	ssyncset.done @!p0 $0x0  }
0x141: {  	[sflag:s0] =	ssyncadd.s32 @!p0 s1  }
0x142: {  	[bflag:$0x3] =	sbarrier.arrive $0xFFFF  }
0x143: {  	_ =	shalt  }

</sc_bundles>
